<compile_context>
chip_gen: v7x
topology: tpu7x:2x2x1
jax: 0.10.2.dev20260603
libtpu: 0.0.44.dev20260713+nightly
codegen_flags: <defaults>
</compile_context>

<pallas_src>
import functools

import jax
import jax.numpy as jnp
import numpy as np
from jax import lax
from jax.experimental import pallas as pl
from jax.experimental.pallas import tpu as pltpu
from jax.experimental.pallas import tpu_sc as plsc

K_PCT = 10
EPS_DICE = 1e-05
EPS_LOG = 0.0001

N = 2 * 1 * 128 * 128 * 128
NW = 32
PER_TILE = N // NW
CHUNK = 8192
NCHUNK = PER_TILE // CHUNK
UNROLL = 8
L = 16
BINS1 = 2048
BINS2 = 1024
COLS = 512
ROWS_PER_CHUNK = CHUNK // COLS
SIGN = np.int32(-2147483648)
MASK31 = np.int32(0x7FFFFFFF)

_mesh = plsc.VectorSubcoreMesh(core_axis_name="c", subcore_axis_name="s")


def _wid():
    return lax.axis_index("s") * 2 + lax.axis_index("c")


def _zero_hist(hist_v, nbins):
    zero_v = jnp.broadcast_to(jnp.int32(0), (L,))
    shift = (nbins // L).bit_length() - 1

    @plsc.parallel_loop(0, L * (nbins // L), 1, unroll=UNROLL)
    def _(i):
        hist_v[i >> shift, pl.ds((i & (nbins // L - 1)) * L, L)] = zero_v


def _pass1_body(x_hbm, t_hbm, keys_hbm, hist_hbm,
                xbuf0, xbuf1, tbuf0, tbuf1, kbuf0, kbuf1, hist_v,
                sx0, sx1, st0, st1, sk0, sk1):
    wid = _wid()
    base = wid * PER_TILE
    lanes = lax.iota(jnp.int32, L)
    ones = jnp.broadcast_to(jnp.int32(1), (L,))
    xbufs, tbufs, kbufs = (xbuf0, xbuf1), (tbuf0, tbuf1), (kbuf0, kbuf1)
    sxs, sts, sks = (sx0, sx1), (st0, st1), (sk0, sk1)

    def load(ci, b):
        off = base + ci * CHUNK
        pltpu.async_copy(x_hbm.at[pl.ds(off, CHUNK)], xbufs[b], sxs[b])
        pltpu.async_copy(t_hbm.at[pl.ds(off, CHUNK)], tbufs[b], sts[b])

    load(0, 0)
    load(1, 1)
    _zero_hist(hist_v, BINS1)
    row_base = wid * (PER_TILE // COLS)

    def outer(g, c):
        for b in range(2):
            ci = g * 2 + b
            pltpu.make_async_copy(
                x_hbm.at[pl.ds(0, CHUNK)], xbufs[b], sxs[b]).wait()
            pltpu.make_async_copy(
                t_hbm.at[pl.ds(0, CHUNK)], tbufs[b], sts[b]).wait()

            @pl.when(g > 0)
            def _():
                pltpu.make_async_copy(
                    kbufs[b],
                    keys_hbm.at[pl.ds(0, ROWS_PER_CHUNK)], sks[b]).wait()

            xb, tb, kb = xbufs[b], tbufs[b], kbufs[b]

            @plsc.parallel_loop(0, CHUNK // L, 1, unroll=UNROLL)
            def _(vi):
                s = vi * L
                xv = xb[pl.ds(s, L)]
                tv = tb[pl.ds(s, L)]
                pos = tv >= 0.5
                p = jnp.where(pos, xv, 1.0 - xv)
                key = lax.bitcast_convert_type(p, jnp.int32)
                d1 = key >> 19
                plsc.addupdate_scatter(hist_v, [lanes, d1], ones)
                kb[vi >> 5, pl.ds((vi & 31) << 4, L)] = jnp.where(
                    pos, key | SIGN, key)

            row_off = row_base + ci * ROWS_PER_CHUNK
            pltpu.async_copy(
                kbufs[b], keys_hbm.at[pl.ds(row_off, ROWS_PER_CHUNK)], sks[b])

            @pl.when(ci + 2 < NCHUNK)
            def _():
                load(ci + 2, b)

        return c

    lax.fori_loop(0, NCHUNK // 2, outer, 0)
    pltpu.make_async_copy(
        kbufs[0], keys_hbm.at[pl.ds(0, ROWS_PER_CHUNK)], sks[0]).wait()
    pltpu.make_async_copy(
        kbufs[1], keys_hbm.at[pl.ds(0, ROWS_PER_CHUNK)], sks[1]).wait()
    pltpu.sync_copy(hist_v, hist_hbm.at[wid])


_pass1 = pl.kernel(
    _pass1_body,
    out_type=[
        jax.ShapeDtypeStruct((N // COLS, COLS), jnp.int32),
        jax.ShapeDtypeStruct((NW, L, BINS1), jnp.int32),
    ],
    mesh=_mesh,
    scratch_types=[
        pltpu.VMEM((CHUNK,), jnp.float32),
        pltpu.VMEM((CHUNK,), jnp.float32),
        pltpu.VMEM((CHUNK,), jnp.float32),
        pltpu.VMEM((CHUNK,), jnp.float32),
        pltpu.VMEM((ROWS_PER_CHUNK, COLS), jnp.int32),
        pltpu.VMEM((ROWS_PER_CHUNK, COLS), jnp.int32),
        pltpu.VMEM((L, BINS1), jnp.int32),
        pltpu.SemaphoreType.DMA,
        pltpu.SemaphoreType.DMA,
        pltpu.SemaphoreType.DMA,
        pltpu.SemaphoreType.DMA,
        pltpu.SemaphoreType.DMA,
        pltpu.SemaphoreType.DMA,
    ],
    compiler_params=pltpu.CompilerParams(needs_layout_passes=False),
)


def _pass2_body(keys_hbm, j1_hbm, hist_hbm, kbuf0, kbuf1, jbuf, hist_v,
                sk0, sk1):
    wid = _wid()
    base = wid * PER_TILE
    lanes = lax.iota(jnp.int32, L)
    ones = jnp.broadcast_to(jnp.int32(1), (L,))
    kbufs, sks = (kbuf0, kbuf1), (sk0, sk1)
    row_base = wid * (PER_TILE // COLS)

    def load(ci, b):
        row_off = row_base + ci * ROWS_PER_CHUNK
        pltpu.async_copy(
            keys_hbm.at[pl.ds(row_off, ROWS_PER_CHUNK)], kbufs[b], sks[b])

    load(0, 0)
    load(1, 1)
    _zero_hist(hist_v, BINS2)
    pltpu.sync_copy(j1_hbm.at[pl.ds(0, L)], jbuf)
    j1v = jbuf[...]

    def outer(g, c):
        for b in range(2):
            ci = g * 2 + b
            pltpu.make_async_copy(
                keys_hbm.at[pl.ds(0, ROWS_PER_CHUNK)], kbufs[b], sks[b]).wait()
            kb = kbufs[b]

            @plsc.parallel_loop(0, CHUNK // L, 1, unroll=UNROLL)
            def _(vi):
                kp = kb[vi >> 5, pl.ds((vi & 31) << 4, L)] & MASK31
                m = (kp >> 19) == j1v
                d2 = (kp >> 9) & jnp.int32(0x3FF)
                plsc.addupdate_scatter(hist_v, [lanes, d2], ones, mask=m)

            @pl.when(ci + 2 < NCHUNK)
            def _():
                load(ci + 2, b)

        return c

    lax.fori_loop(0, NCHUNK // 2, outer, 0)
    pltpu.sync_copy(hist_v, hist_hbm.at[wid])


_pass2 = pl.kernel(
    _pass2_body,
    out_type=[jax.ShapeDtypeStruct((NW, L, BINS2), jnp.int32)],
    mesh=_mesh,
    scratch_types=[
        pltpu.VMEM((ROWS_PER_CHUNK, COLS), jnp.int32),
        pltpu.VMEM((ROWS_PER_CHUNK, COLS), jnp.int32),
        pltpu.VMEM((L,), jnp.int32),
        pltpu.VMEM((L, BINS2), jnp.int32),
        pltpu.SemaphoreType.DMA,
        pltpu.SemaphoreType.DMA,
    ],
    compiler_params=pltpu.CompilerParams(needs_layout_passes=False),
)


_TC_ROWS = 256
_TC_GRID = N // (_TC_ROWS * COLS)


def _tc_body(pref_ref, keys_ref, out_ref):
    i = pl.program_id(0)

    @pl.when(i == 0)
    def _():
        out_ref[0] = 0.0
        out_ref[1] = 0.0
        out_ref[2] = 0.0
        out_ref[3] = 0.0

    kf = keys_ref[...]
    kp = kf & MASK31
    tpos = kf < 0
    p = lax.bitcast_convert_type(kp, jnp.float32)
    res = -jnp.log(p + EPS_LOG)
    sel = (kp >> 19) < pref_ref[0]
    out_ref[0] += jnp.sum(jnp.where(sel, res, 0.0))
    out_ref[1] += jnp.sum(jnp.where(tpos, p, 0.0))
    out_ref[2] += jnp.sum(jnp.where(tpos, p, 1.0 - p))
    out_ref[3] += jnp.sum(jnp.where(tpos, 1.0, 0.0))


def _tc_stage(keys2d, j1vec):
    return pl.pallas_call(
        _tc_body,
        grid=(_TC_GRID,),
        in_specs=[
            pl.BlockSpec(memory_space=pltpu.SMEM),
            pl.BlockSpec((_TC_ROWS, COLS), lambda i: (i, 0)),
        ],
        out_specs=pl.BlockSpec(memory_space=pltpu.SMEM),
        out_shape=jax.ShapeDtypeStruct((4,), jnp.float32),
    )(j1vec, keys2d)


KF = float(N * K_PCT // 100)


def _cum_rows(cnt, nrows):
    lane = lax.broadcasted_iota(jnp.int32, (nrows, 128), 1)
    pc = cnt
    for s in (1, 2, 4, 8, 16, 32, 64):
        pc = pc + jnp.where(lane >= s, pltpu.roll(pc, s, 1), 0)
    row = lax.broadcasted_iota(jnp.int32, (nrows, 128), 0)
    rowtot = jnp.broadcast_to(pc[:, 127:128], (nrows, 128))
    inc = rowtot
    s = 1
    while s < nrows:
        inc = inc + jnp.where(row >= s, pltpu.roll(inc, s, 0), 0)
        s *= 2
    return pc + inc - rowtot


KI = N * K_PCT // 100


def _sel1_body(hist_ref, j1s_ref, b1_ref, j1v_ref):
    h = hist_ref[...].reshape(NW * L, BINS1)
    cnt = jnp.sum(h, axis=0).reshape(BINS1 // 128, 128)
    cum = _cum_rows(cnt, BINS1 // 128)
    lt = cum < KI
    j1 = jnp.sum(lt.astype(jnp.int32))
    below1 = jnp.max(jnp.where(lt, cum, 0))
    j1s_ref[0] = j1
    b1_ref[0] = below1
    j1v_ref[...] = jnp.broadcast_to(j1, (128,))


def _sel1(hist1):
    return pl.pallas_call(
        _sel1_body,
        in_specs=[pl.BlockSpec((NW, L, BINS1), lambda: (0, 0, 0))],
        out_specs=[
            pl.BlockSpec(memory_space=pltpu.SMEM),
            pl.BlockSpec(memory_space=pltpu.SMEM),
            pl.BlockSpec((128,), lambda: (0,)),
        ],
        out_shape=[
            jax.ShapeDtypeStruct((1,), jnp.int32),
            jax.ShapeDtypeStruct((1,), jnp.int32),
            jax.ShapeDtypeStruct((128,), jnp.int32),
        ],
    )(hist1)


def _final_body(hist_ref, sums_ref, j1s_ref, b1_ref, out_ref):
    h = hist_ref[...].reshape(NW * L, BINS2)
    cnt = jnp.sum(h, axis=0).reshape(BINS2 // 128, 128)
    below1 = b1_ref[0]
    cum = _cum_rows(cnt, BINS2 // 128) + below1
    lt = cum < KI
    j2 = jnp.sum(lt.astype(jnp.int32))
    count_lt = jnp.max(jnp.where(lt, cum, below1))
    r = jnp.float32(KI - count_lt)

    bidx = (lax.broadcasted_iota(jnp.int32, (BINS2 // 128, 128), 0) * 128
            + lax.broadcasted_iota(jnp.int32, (BINS2 // 128, 128), 1))
    keys_rep = (j1s_ref[0] << 19) | (bidx << 9) | 256
    res_rep = -jnp.log(
        lax.bitcast_convert_type(keys_rep, jnp.float32) + EPS_LOG)
    in_bin = jnp.sum(jnp.where(bidx < j2, cnt.astype(jnp.float32) * res_rep, 0.0))
    res_j2 = jnp.sum(jnp.where(bidx == j2, res_rep, 0.0))

    ce = (sums_ref[0] + in_bin + r * res_j2) / KF
    dc = 1.0 - 2.0 * (sums_ref[1] + EPS_DICE) / (
        sums_ref[2] + sums_ref[3] + EPS_DICE)
    out_ref[0] = ce + dc
    out_ref[1] = ce
    out_ref[2] = dc


def _final(hist2, sums, j1s, b1):
    return pl.pallas_call(
        _final_body,
        in_specs=[
            pl.BlockSpec((NW, L, BINS2), lambda: (0, 0, 0)),
            pl.BlockSpec(memory_space=pltpu.SMEM),
            pl.BlockSpec(memory_space=pltpu.SMEM),
            pl.BlockSpec(memory_space=pltpu.SMEM),
        ],
        out_specs=pl.BlockSpec(memory_space=pltpu.SMEM),
        out_shape=jax.ShapeDtypeStruct((3,), jnp.float32),
    )(hist2, sums, j1s, b1)


def kernel(net_output, target):
    x = net_output.reshape(-1)
    t = target.reshape(-1)

    keys, hist1 = _pass1(x, t)
    j1s, b1, j1vec = _sel1(hist1)
    (hist2,) = _pass2(keys, j1vec)
    sums = _tc_stage(keys, j1s)
    out3 = _final(hist2, sums, j1s, b1)
    return (out3[0], out3[1], out3[2])

# --- scband reference (transcript-rebuilt; emitter-appended) ---
"""Pipeline reference for scband-dc-and-topk-loss-22479858828004 (READ-ONLY COPY).

The authoritative reference and input builder live on the scoring server;
editing this copy changes nothing except your own understanding.
"""

import jax, jax.numpy as jnp
import numpy as np

K_PCT = 10
EPS_DICE = 1e-05
EPS_LOG = 0.0001


def setup_inputs(seed: int = 0) -> dict:
    key = jax.random.key(seed)
    k1, k2 = jax.random.split(key)
    shape = (2, 1, 128, 128, 128)
    net_output = jax.random.uniform(k1, shape, dtype=jnp.float32)
    target = jax.random.randint(k2, shape, 0, 2).astype(jnp.float32)
    return {"net_output": net_output, "target": target}


def reference(net_output, target):
    # DiceLoss
    num = net_output.shape[0]
    pre = net_output.reshape(num, -1)
    tar = target.reshape(num, -1)
    intersection = (pre * tar).sum(-1).sum()
    union = (pre + tar).sum(-1).sum()
    dc_loss = 1.0 - 2.0 * (intersection + EPS_DICE) / (union + EPS_DICE)

    # TopKLoss (CrossentropyND with NLL on log(p + 1e-4), reduction='none')
    pred_cat = jnp.concatenate([1.0 - net_output, net_output], axis=1)  # [B,2,...]
    tgt = target[:, 0].astype(jnp.int32)  # [B, H, W, D]
    num_classes = pred_cat.shape[1]
    # successive transposes move channel dim to last: [B,...,C]
    inp = jnp.moveaxis(pred_cat, 1, -1).reshape(-1, num_classes)
    logp = jnp.log(inp + EPS_LOG)
    t = tgt.reshape(-1)
    # NLLLoss reduction='none': -logp[range, t]
    res = -jnp.take_along_axis(logp, t[:, None], axis=1)[:, 0]
    num_voxels = res.shape[0]
    k_count = int(num_voxels * K_PCT / 100)
    top_vals, _ = jax.lax.top_k(res, k_count)
    ce_loss = top_vals.mean()

    result = ce_loss + dc_loss
    return (result, ce_loss, dc_loss)

if __name__ == "__main__":
    import jax
    _d = setup_inputs()
    print(jax.jit(kernel)(*tuple(_d.values())))

</pallas_src>

<mosaic_0001>
#map = affine_map<(d0, d1) -> (0, 0)>
#map1 = affine_map<(d0, d1) -> (0)>
#map2 = affine_map<(d0, d1) -> (0, 0, 0)>
module attributes {stable_mosaic.version = 14 : i64} {
  func.func @_pass2_body(%arg0: i32, %arg1: i32, %arg2: memref<8192x512xi32, #tpu.memory_space<hbm>>, %arg3: memref<128xi32, #tpu.memory_space<hbm>>, %arg4: memref<32x16x1024xi32, #tpu.memory_space<hbm>>, %arg5: memref<16x512xi32, #tpu.memory_space<vmem>>, %arg6: memref<16x512xi32, #tpu.memory_space<vmem>>, %arg7: memref<16xi32, #tpu.memory_space<vmem>>, %arg8: memref<16x1024xi32, #tpu.memory_space<vmem>>, %arg9: memref<!tpu.dma_semaphore, #tpu.memory_space<semaphore_mem>>, %arg10: memref<!tpu.dma_semaphore, #tpu.memory_space<semaphore_mem>>) attributes {dimension_semantics = [#tpu.dimension_semantics<core_parallel>, #tpu.dimension_semantics<subcore_parallel>], iteration_bounds = array<i64: 2, 16>, scalar_prefetch = 0 : i64, scratch_operands = 6 : i64, tpu.core_type = #tpu.core_type<sc_vector_subcore>, window_params = [{transform_indices = #map}, {transform_indices = #map1}, {transform_indices = #map2}]} {
    %mul3A = arith.constant 2 : i32
    %mul3A_0 = arith.muli %arg1, %mul3A : i32
    %add3A = arith.addi %mul3A_0, %arg0 : i32
    %mul3A_1 = arith.constant 131072 : i32
    %mul3A_2 = arith.muli %add3A, %mul3A_1 : i32
    %iota3A = tpu.iota {dimensions = array<i32: 0>} : vector<16xi32>
    %broadcast_in_dim3A = arith.constant 1 : i32
    %broadcast_in_dim3A_3 = vector.broadcast %broadcast_in_dim3A : i32 to vector<16xi32>
    %mul3A_4 = arith.constant 256 : i32
    %mul3A_5 = arith.muli %add3A, %mul3A_4 : i32
    %add3A_6 = arith.constant 0 : i32
    %add3A_7 = arith.addi %mul3A_5, %add3A_6 : i32
    %dma_start3A = arith.constant 0 : i32
    %dma_start3A_8 = tpu.memref_slice %arg2[%add3A_7, %dma_start3A] : memref<8192x512xi32, #tpu.memory_space<hbm>> -> memref<16x512xi32, #tpu.memory_space<hbm>>
    %dma_start3A_9 = arith.constant 0 : i32
    %dma_start3A_10 = tpu.memref_slice %arg2[%add3A_7, %dma_start3A_9] : memref<8192x512xi32, #tpu.memory_space<hbm>> -> memref<16x512xi32, #tpu.memory_space<hbm>>
    tpu.enqueue_dma source(%dma_start3A_10 : memref<16x512xi32, #tpu.memory_space<hbm>>) target(%arg5 : memref<16x512xi32, #tpu.memory_space<vmem>>) target_semaphore(%arg9 : memref<!tpu.dma_semaphore, #tpu.memory_space<semaphore_mem>>)
    %add3A_11 = arith.constant 16 : i32
    %add3A_12 = arith.addi %mul3A_5, %add3A_11 : i32
    %dma_start3A_13 = arith.constant 0 : i32
    %dma_start3A_14 = tpu.memref_slice %arg2[%add3A_12, %dma_start3A_13] : memref<8192x512xi32, #tpu.memory_space<hbm>> -> memref<16x512xi32, #tpu.memory_space<hbm>>
    %dma_start3A_15 = arith.constant 0 : i32
    %dma_start3A_16 = tpu.memref_slice %arg2[%add3A_12, %dma_start3A_15] : memref<8192x512xi32, #tpu.memory_space<hbm>> -> memref<16x512xi32, #tpu.memory_space<hbm>>
    tpu.enqueue_dma source(%dma_start3A_16 : memref<16x512xi32, #tpu.memory_space<hbm>>) target(%arg6 : memref<16x512xi32, #tpu.memory_space<vmem>>) target_semaphore(%arg10 : memref<!tpu.dma_semaphore, #tpu.memory_space<semaphore_mem>>)
    %broadcast_in_dim3A_17 = arith.constant 0 : i32
    %broadcast_in_dim3A_18 = vector.broadcast %broadcast_in_dim3A_17 : i32 to vector<16xi32>
    %parallel_loop3A = arith.constant 0 : i32
    %parallel_loop3A_19 = arith.constant 1024 : i32
    %parallel_loop3A_20 = arith.constant 1 : i32
    scf.for %parallel_loop3A_27 = %parallel_loop3A to %parallel_loop3A_19 step %parallel_loop3A_20  : i32 {
      %parallel_loop3A_28 = arith.constant 6 : i32
      %parallel_loop3A_29 = arith.shrsi %parallel_loop3A_27, %parallel_loop3A_28 : i32
      %parallel_loop3A_30 = arith.constant 63 : i32
      %parallel_loop3A_31 = arith.andi %parallel_loop3A_27, %parallel_loop3A_30 : i32
      %parallel_loop3A_32 = arith.constant 16 : i32
      %parallel_loop3A_33 = arith.muli %parallel_loop3A_31, %parallel_loop3A_32 : i32
      %parallel_loop3A_34 = arith.index_cast %parallel_loop3A_29 : i32 to index
      %parallel_loop3A_35 = arith.index_cast %parallel_loop3A_33 : i32 to index
      %parallel_loop3A_36 = tpu.vector_load %arg8[%parallel_loop3A_34, %parallel_loop3A_35] {strides = array<i32>} : memref<16x1024xi32, #tpu.memory_space<vmem>>, vector<16xi32>,
      tpu.vector_store %arg8[%parallel_loop3A_34, %parallel_loop3A_35], %broadcast_in_dim3A_18 {strides = array<i32>} : memref<16x1024xi32, #tpu.memory_space<vmem>>, vector<16xi32>,
    } {sc.loop_unroll_factor = 8 : i64, sc.parallel_access}
    "tpu.region"() ({
      %run_scoped3A = tpu.sem_alloc : memref<!tpu.dma_semaphore, #tpu.memory_space<semaphore_mem>>
      %dma_start3A_27 = arith.constant 0 : i32
      %dma_start3A_28 = tpu.memref_slice %arg3[%dma_start3A_27] : memref<128xi32, #tpu.memory_space<hbm>> -> memref<16xi32, #tpu.memory_space<hbm>>
      %dma_start3A_29 = arith.constant 0 : i32
      %dma_start3A_30 = tpu.memref_slice %arg3[%dma_start3A_29] : memref<128xi32, #tpu.memory_space<hbm>> -> memref<16xi32, #tpu.memory_space<hbm>>
      tpu.enqueue_dma source(%dma_start3A_30 : memref<16xi32, #tpu.memory_space<hbm>>) target(%arg7 : memref<16xi32, #tpu.memory_space<vmem>>) target_semaphore(%run_scoped3A : memref<!tpu.dma_semaphore, #tpu.memory_space<semaphore_mem>>)
      %dma_wait3A = arith.constant 0 : i32
      %dma_wait3A_31 = tpu.memref_slice %arg3[%dma_wait3A] : memref<128xi32, #tpu.memory_space<hbm>> -> memref<16xi32, #tpu.memory_space<hbm>>
      %dma_wait3A_32 = arith.constant 0 : i32
      %dma_wait3A_33 = tpu.memref_slice %arg3[%dma_wait3A_32] : memref<128xi32, #tpu.memory_space<hbm>> -> memref<16xi32, #tpu.memory_space<hbm>>
      tpu.wait_dma2 semaphore(%run_scoped3A : memref<!tpu.dma_semaphore, #tpu.memory_space<semaphore_mem>>) src(%dma_wait3A_33 : memref<16xi32, #tpu.memory_space<hbm>>) dst(%arg7 : memref<16xi32, #tpu.memory_space<vmem>>)
      tpu.yield
    }) : () -> ()
    %get3A = arith.constant 0 : index
    %get3A_21 = tpu.vector_load %arg7[%get3A] {strides = array<i32>} : memref<16xi32, #tpu.memory_space<vmem>>, vector<16xi32>,
    %scan3A = arith.constant 0 : i32
    %scan3A_22 = arith.constant 0 : i32
    %scan3A_23 = arith.constant 8 : i32
    %scan3A_24 = arith.addi %scan3A_22, %scan3A_23 : i32
    %scan3A_25 = arith.constant 1 : i32
    scf.for %scan3A_27 = %scan3A_22 to %scan3A_24 step %scan3A_25  : i32 {
      %mul3A_28 = arith.constant 2 : i32
      %mul3A_29 = arith.muli %scan3A_27, %mul3A_28 : i32
      %add3A_30 = arith.constant 0 : i32
      %add3A_31 = arith.addi %mul3A_29, %add3A_30 : i32
      %dma_wait3A = arith.constant 0 : i32
      %dma_wait3A_32 = arith.constant 0 : i32
      %dma_wait3A_33 = tpu.memref_slice %arg2[%dma_wait3A, %dma_wait3A_32] : memref<8192x512xi32, #tpu.memory_space<hbm>> -> memref<16x512xi32, #tpu.memory_space<hbm>>
      %dma_wait3A_34 = arith.constant 0 : i32
      %dma_wait3A_35 = arith.constant 0 : i32
      %dma_wait3A_36 = tpu.memref_slice %arg2[%dma_wait3A_34, %dma_wait3A_35] : memref<8192x512xi32, #tpu.memory_space<hbm>> -> memref<16x512xi32, #tpu.memory_space<hbm>>
      tpu.wait_dma2 semaphore(%arg9 : memref<!tpu.dma_semaphore, #tpu.memory_space<semaphore_mem>>) src(%dma_wait3A_36 : memref<16x512xi32, #tpu.memory_space<hbm>>) dst(%arg5 : memref<16x512xi32, #tpu.memory_space<vmem>>)
      %parallel_loop3A_37 = arith.constant 0 : i32
      %parallel_loop3A_38 = arith.constant 512 : i32
      %parallel_loop3A_39 = arith.constant 1 : i32
      scf.for %parallel_loop3A_64 = %parallel_loop3A_37 to %parallel_loop3A_38 step %parallel_loop3A_39  : i32 {
        %parallel_loop3A_65 = arith.constant 5 : i32
        %parallel_loop3A_66 = arith.shrsi %parallel_loop3A_64, %parallel_loop3A_65 : i32
        %parallel_loop3A_67 = arith.constant 31 : i32
        %parallel_loop3A_68 = arith.andi %parallel_loop3A_64, %parallel_loop3A_67 : i32
        %parallel_loop3A_69 = arith.constant 4 : i32
        %parallel_loop3A_70 = arith.shli %parallel_loop3A_68, %parallel_loop3A_69 : i32
        %parallel_loop3A_71 = arith.index_cast %parallel_loop3A_66 : i32 to index
        %parallel_loop3A_72 = arith.index_cast %parallel_loop3A_70 : i32 to index
        %parallel_loop3A_73 = tpu.vector_load %arg5[%parallel_loop3A_71, %parallel_loop3A_72] {strides = array<i32>} : memref<16x512xi32, #tpu.memory_space<vmem>>, vector<16xi32>,
        %parallel_loop3A_74 = arith.constant 2147483647 : i32
        %parallel_loop3A_75 = vector.broadcast %parallel_loop3A_74 : i32 to vector<16xi32>
        %parallel_loop3A_76 = arith.andi %parallel_loop3A_73, %parallel_loop3A_75 : vector<16xi32>
        %parallel_loop3A_77 = arith.constant 19 : i32
        %parallel_loop3A_78 = vector.broadcast %parallel_loop3A_77 : i32 to vector<16xi32>
        %parallel_loop3A_79 = arith.shrsi %parallel_loop3A_76, %parallel_loop3A_78 : vector<16xi32>
        %parallel_loop3A_80 = arith.cmpi eq, %parallel_loop3A_79, %get3A_21 : vector<16xi32>
        %parallel_loop3A_81 = arith.constant 9 : i32
        %parallel_loop3A_82 = vector.broadcast %parallel_loop3A_81 : i32 to vector<16xi32>
        %parallel_loop3A_83 = arith.shrsi %parallel_loop3A_76, %parallel_loop3A_82 : vector<16xi32>
        %parallel_loop3A_84 = arith.constant 1023 : i32
        %parallel_loop3A_85 = vector.broadcast %parallel_loop3A_84 : i32 to vector<16xi32>
        %parallel_loop3A_86 = arith.andi %parallel_loop3A_83, %parallel_loop3A_85 : vector<16xi32>
        tpu.vector_store_idx %arg8[%iota3A, %parallel_loop3A_86], %broadcast_in_dim3A_3 masked %parallel_loop3A_80 {add = true} : memref<16x1024xi32, #tpu.memory_space<vmem>>[vector<16xi32>, vector<16xi32>], vector<16xi32>, vector<16xi1>
      } {sc.loop_unroll_factor = 8 : i64, sc.parallel_access}
      %add3A_40 = arith.constant 2 : i32
      %add3A_41 = arith.addi %add3A_31, %add3A_40 : i32
      %lt3A = arith.constant 16 : i32
      %lt3A_42 = arith.cmpi slt, %add3A_41, %lt3A : i32
      %convert_element_type3A = arith.extui %lt3A_42 : i1 to i32
      %cond3A = arith.constant 0 : i32
      %cond3A_43 = arith.cmpi ne, %convert_element_type3A, %cond3A : i32
      scf.if %cond3A_43 {
        %add3A_64 = arith.constant 2 : i32
        %add3A_65 = arith.addi %add3A_31, %add3A_64 : i32
        %mul3A_66 = arith.constant 16 : i32
        %mul3A_67 = arith.muli %add3A_65, %mul3A_66 : i32
        %add3A_68 = arith.addi %mul3A_5, %mul3A_67 : i32
        %dma_start3A_69 = arith.constant 0 : i32
        %dma_start3A_70 = tpu.memref_slice %arg2[%add3A_68, %dma_start3A_69] : memref<8192x512xi32, #tpu.memory_space<hbm>> -> memref<16x512xi32, #tpu.memory_space<hbm>>
        %dma_start3A_71 = arith.constant 0 : i32
        %dma_start3A_72 = tpu.memref_slice %arg2[%add3A_68, %dma_start3A_71] : memref<8192x512xi32, #tpu.memory_space<hbm>> -> memref<16x512xi32, #tpu.memory_space<hbm>>
        tpu.enqueue_dma source(%dma_start3A_72 : memref<16x512xi32, #tpu.memory_space<hbm>>) target(%arg5 : memref<16x512xi32, #tpu.memory_space<vmem>>) target_semaphore(%arg9 : memref<!tpu.dma_semaphore, #tpu.memory_space<semaphore_mem>>)
      } else {
      }
      %mul3A_44 = arith.constant 2 : i32
      %mul3A_45 = arith.muli %scan3A_27, %mul3A_44 : i32
      %add3A_46 = arith.constant 1 : i32
      %add3A_47 = arith.addi %mul3A_45, %add3A_46 : i32
      %dma_wait3A_48 = arith.constant 0 : i32
      %dma_wait3A_49 = arith.constant 0 : i32
      %dma_wait3A_50 = tpu.memref_slice %arg2[%dma_wait3A_48, %dma_wait3A_49] : memref<8192x512xi32, #tpu.memory_space<hbm>> -> memref<16x512xi32, #tpu.memory_space<hbm>>
      %dma_wait3A_51 = arith.constant 0 : i32
      %dma_wait3A_52 = arith.constant 0 : i32
      %dma_wait3A_53 = tpu.memref_slice %arg2[%dma_wait3A_51, %dma_wait3A_52] : memref<8192x512xi32, #tpu.memory_space<hbm>> -> memref<16x512xi32, #tpu.memory_space<hbm>>
      tpu.wait_dma2 semaphore(%arg10 : memref<!tpu.dma_semaphore, #tpu.memory_space<semaphore_mem>>) src(%dma_wait3A_53 : memref<16x512xi32, #tpu.memory_space<hbm>>) dst(%arg6 : memref<16x512xi32, #tpu.memory_space<vmem>>)
      %parallel_loop3A_54 = arith.constant 0 : i32
      %parallel_loop3A_55 = arith.constant 512 : i32
      %parallel_loop3A_56 = arith.constant 1 : i32
      scf.for %parallel_loop3A_64 = %parallel_loop3A_54 to %parallel_loop3A_55 step %parallel_loop3A_56  : i32 {
        %parallel_loop3A_65 = arith.constant 5 : i32
        %parallel_loop3A_66 = arith.shrsi %parallel_loop3A_64, %parallel_loop3A_65 : i32
        %parallel_loop3A_67 = arith.constant 31 : i32
        %parallel_loop3A_68 = arith.andi %parallel_loop3A_64, %parallel_loop3A_67 : i32
        %parallel_loop3A_69 = arith.constant 4 : i32
        %parallel_loop3A_70 = arith.shli %parallel_loop3A_68, %parallel_loop3A_69 : i32
        %parallel_loop3A_71 = arith.index_cast %parallel_loop3A_66 : i32 to index
        %parallel_loop3A_72 = arith.index_cast %parallel_loop3A_70 : i32 to index
        %parallel_loop3A_73 = tpu.vector_load %arg6[%parallel_loop3A_71, %parallel_loop3A_72] {strides = array<i32>} : memref<16x512xi32, #tpu.memory_space<vmem>>, vector<16xi32>,
        %parallel_loop3A_74 = arith.constant 2147483647 : i32
        %parallel_loop3A_75 = vector.broadcast %parallel_loop3A_74 : i32 to vector<16xi32>
        %parallel_loop3A_76 = arith.andi %parallel_loop3A_73, %parallel_loop3A_75 : vector<16xi32>
        %parallel_loop3A_77 = arith.constant 19 : i32
        %parallel_loop3A_78 = vector.broadcast %parallel_loop3A_77 : i32 to vector<16xi32>
        %parallel_loop3A_79 = arith.shrsi %parallel_loop3A_76, %parallel_loop3A_78 : vector<16xi32>
        %parallel_loop3A_80 = arith.cmpi eq, %parallel_loop3A_79, %get3A_21 : vector<16xi32>
        %parallel_loop3A_81 = arith.constant 9 : i32
        %parallel_loop3A_82 = vector.broadcast %parallel_loop3A_81 : i32 to vector<16xi32>
        %parallel_loop3A_83 = arith.shrsi %parallel_loop3A_76, %parallel_loop3A_82 : vector<16xi32>
        %parallel_loop3A_84 = arith.constant 1023 : i32
        %parallel_loop3A_85 = vector.broadcast %parallel_loop3A_84 : i32 to vector<16xi32>
        %parallel_loop3A_86 = arith.andi %parallel_loop3A_83, %parallel_loop3A_85 : vector<16xi32>
        tpu.vector_store_idx %arg8[%iota3A, %parallel_loop3A_86], %broadcast_in_dim3A_3 masked %parallel_loop3A_80 {add = true} : memref<16x1024xi32, #tpu.memory_space<vmem>>[vector<16xi32>, vector<16xi32>], vector<16xi32>, vector<16xi1>
      } {sc.loop_unroll_factor = 8 : i64, sc.parallel_access}
      %add3A_57 = arith.constant 2 : i32
      %add3A_58 = arith.addi %add3A_47, %add3A_57 : i32
      %lt3A_59 = arith.constant 16 : i32
      %lt3A_60 = arith.cmpi slt, %add3A_58, %lt3A_59 : i32
      %convert_element_type3A_61 = arith.extui %lt3A_60 : i1 to i32
      %cond3A_62 = arith.constant 0 : i32
      %cond3A_63 = arith.cmpi ne, %convert_element_type3A_61, %cond3A_62 : i32
      scf.if %cond3A_63 {
        %add3A_64 = arith.constant 2 : i32
        %add3A_65 = arith.addi %add3A_47, %add3A_64 : i32
        %mul3A_66 = arith.constant 16 : i32
        %mul3A_67 = arith.muli %add3A_65, %mul3A_66 : i32
        %add3A_68 = arith.addi %mul3A_5, %mul3A_67 : i32
        %dma_start3A_69 = arith.constant 0 : i32
        %dma_start3A_70 = tpu.memref_slice %arg2[%add3A_68, %dma_start3A_69] : memref<8192x512xi32, #tpu.memory_space<hbm>> -> memref<16x512xi32, #tpu.memory_space<hbm>>
        %dma_start3A_71 = arith.constant 0 : i32
        %dma_start3A_72 = tpu.memref_slice %arg2[%add3A_68, %dma_start3A_71] : memref<8192x512xi32, #tpu.memory_space<hbm>> -> memref<16x512xi32, #tpu.memory_space<hbm>>
        tpu.enqueue_dma source(%dma_start3A_72 : memref<16x512xi32, #tpu.memory_space<hbm>>) target(%arg6 : memref<16x512xi32, #tpu.memory_space<vmem>>) target_semaphore(%arg10 : memref<!tpu.dma_semaphore, #tpu.memory_space<semaphore_mem>>)
      } else {
      }
    }
    %scan3A_26 = arith.constant 8 : i32
    "tpu.region"() ({
      %run_scoped3A = tpu.sem_alloc : memref<!tpu.dma_semaphore, #tpu.memory_space<semaphore_mem>>
      %dma_start3A_27 = arith.constant 0 : i32
      %dma_start3A_28 = arith.constant 0 : i32
      %dma_start3A_29 = tpu.memref_slice %arg4[%add3A, %dma_start3A_27, %dma_start3A_28] : memref<32x16x1024xi32, #tpu.memory_space<hbm>> -> memref<1x16x1024xi32, #tpu.memory_space<hbm>>
      %dma_start3A_30 = tpu.memref_squeeze %dma_start3A_29 : memref<1x16x1024xi32, #tpu.memory_space<hbm>> -> memref<16x1024xi32, #tpu.memory_space<hbm>>
      %dma_start3A_31 = arith.constant 0 : i32
      %dma_start3A_32 = arith.constant 0 : i32
      %dma_start3A_33 = tpu.memref_slice %arg4[%add3A, %dma_start3A_31, %dma_start3A_32] : memref<32x16x1024xi32, #tpu.memory_space<hbm>> -> memref<1x16x1024xi32, #tpu.memory_space<hbm>>
      %dma_start3A_34 = tpu.memref_squeeze %dma_start3A_33 : memref<1x16x1024xi32, #tpu.memory_space<hbm>> -> memref<16x1024xi32, #tpu.memory_space<hbm>>
      tpu.enqueue_dma source(%arg8 : memref<16x1024xi32, #tpu.memory_space<vmem>>) target(%dma_start3A_34 : memref<16x1024xi32, #tpu.memory_space<hbm>>) target_semaphore(%run_scoped3A : memref<!tpu.dma_semaphore, #tpu.memory_space<semaphore_mem>>)
      %dma_wait3A = arith.constant 0 : i32
      %dma_wait3A_35 = arith.constant 0 : i32
      %dma_wait3A_36 = tpu.memref_slice %arg4[%add3A, %dma_wait3A, %dma_wait3A_35] : memref<32x16x1024xi32, #tpu.memory_space<hbm>> -> memref<1x16x1024xi32, #tpu.memory_space<hbm>>
      %dma_wait3A_37 = tpu.memref_squeeze %dma_wait3A_36 : memref<1x16x1024xi32, #tpu.memory_space<hbm>> -> memref<16x1024xi32, #tpu.memory_space<hbm>>
      %dma_wait3A_38 = arith.constant 0 : i32
      %dma_wait3A_39 = arith.constant 0 : i32
      %dma_wait3A_40 = tpu.memref_slice %arg4[%add3A, %dma_wait3A_38, %dma_wait3A_39] : memref<32x16x1024xi32, #tpu.memory_space<hbm>> -> memref<1x16x1024xi32, #tpu.memory_space<hbm>>
      %dma_wait3A_41 = tpu.memref_squeeze %dma_wait3A_40 : memref<1x16x1024xi32, #tpu.memory_space<hbm>> -> memref<16x1024xi32, #tpu.memory_space<hbm>>
      tpu.wait_dma2 semaphore(%run_scoped3A : memref<!tpu.dma_semaphore, #tpu.memory_space<semaphore_mem>>) src(%arg8 : memref<16x1024xi32, #tpu.memory_space<vmem>>) dst(%dma_wait3A_41 : memref<16x1024xi32, #tpu.memory_space<hbm>>)
      tpu.yield
    }) : () -> ()
    return
  }
}

#map = affine_map<(d0, d1) -> (0)>
#map1 = affine_map<(d0, d1) -> (0, 0)>
#map2 = affine_map<(d0, d1) -> (0, 0, 0)>
module attributes {stable_mosaic.version = 14 : i64} {
  func.func @_pass1_body(%arg0: i32, %arg1: i32, %arg2: memref<4194304xf32, #tpu.memory_space<hbm>>, %arg3: memref<4194304xf32, #tpu.memory_space<hbm>>, %arg4: memref<8192x512xi32, #tpu.memory_space<hbm>>, %arg5: memref<32x16x2048xi32, #tpu.memory_space<hbm>>, %arg6: memref<8192xf32, #tpu.memory_space<vmem>>, %arg7: memref<8192xf32, #tpu.memory_space<vmem>>, %arg8: memref<8192xf32, #tpu.memory_space<vmem>>, %arg9: memref<8192xf32, #tpu.memory_space<vmem>>, %arg10: memref<16x512xi32, #tpu.memory_space<vmem>>, %arg11: memref<16x512xi32, #tpu.memory_space<vmem>>, %arg12: memref<16x2048xi32, #tpu.memory_space<vmem>>, %arg13: memref<!tpu.dma_semaphore, #tpu.memory_space<semaphore_mem>>, %arg14: memref<!tpu.dma_semaphore, #tpu.memory_space<semaphore_mem>>, %arg15: memref<!tpu.dma_semaphore, #tpu.memory_space<semaphore_mem>>, %arg16: memref<!tpu.dma_semaphore, #tpu.memory_space<semaphore_mem>>, %arg17: memref<!tpu.dma_semaphore, #tpu.memory_space<semaphore_mem>>, %arg18: memref<!tpu.dma_semaphore, #tpu.memory_space<semaphore_mem>>) attributes {dimension_semantics = [#tpu.dimension_semantics<core_parallel>, #tpu.dimension_semantics<subcore_parallel>], iteration_bounds = array<i64: 2, 16>, scalar_prefetch = 0 : i64, scratch_operands = 13 : i64, tpu.core_type = #tpu.core_type<sc_vector_subcore>, window_params = [{transform_indices = #map}, {transform_indices = #map}, {transform_indices = #map1}, {transform_indices = #map2}]} {
    %mul3A = arith.constant 2 : i32
    %mul3A_0 = arith.muli %arg1, %mul3A : i32
    %add3A = arith.addi %mul3A_0, %arg0 : i32
    %mul3A_1 = arith.constant 131072 : i32
    %mul3A_2 = arith.muli %add3A, %mul3A_1 : i32
    %iota3A = tpu.iota {dimensions = array<i32: 0>} : vector<16xi32>
    %broadcast_in_dim3A = arith.constant 1 : i32
    %broadcast_in_dim3A_3 = vector.broadcast %broadcast_in_dim3A : i32 to vector<16xi32>
    %add3A_4 = arith.constant 0 : i32
    %add3A_5 = arith.addi %mul3A_2, %add3A_4 : i32
    %dma_start3A = tpu.memref_slice %arg2[%add3A_5] : memref<4194304xf32, #tpu.memory_space<hbm>> -> memref<8192xf32, #tpu.memory_space<hbm>>
    %dma_start3A_6 = tpu.memref_slice %arg2[%add3A_5] : memref<4194304xf32, #tpu.memory_space<hbm>> -> memref<8192xf32, #tpu.memory_space<hbm>>
    tpu.enqueue_dma source(%dma_start3A_6 : memref<8192xf32, #tpu.memory_space<hbm>>) target(%arg6 : memref<8192xf32, #tpu.memory_space<vmem>>) target_semaphore(%arg13 : memref<!tpu.dma_semaphore, #tpu.memory_space<semaphore_mem>>)
    %dma_start3A_7 = tpu.memref_slice %arg3[%add3A_5] : memref<4194304xf32, #tpu.memory_space<hbm>> -> memref<8192xf32, #tpu.memory_space<hbm>>
    %dma_start3A_8 = tpu.memref_slice %arg3[%add3A_5] : memref<4194304xf32, #tpu.memory_space<hbm>> -> memref<8192xf32, #tpu.memory_space<hbm>>
    tpu.enqueue_dma source(%dma_start3A_8 : memref<8192xf32, #tpu.memory_space<hbm>>) target(%arg8 : memref<8192xf32, #tpu.memory_space<vmem>>) target_semaphore(%arg15 : memref<!tpu.dma_semaphore, #tpu.memory_space<semaphore_mem>>)
    %add3A_9 = arith.constant 8192 : i32
    %add3A_10 = arith.addi %mul3A_2, %add3A_9 : i32
    %dma_start3A_11 = tpu.memref_slice %arg2[%add3A_10] : memref<4194304xf32, #tpu.memory_space<hbm>> -> memref<8192xf32, #tpu.memory_space<hbm>>
    %dma_start3A_12 = tpu.memref_slice %arg2[%add3A_10] : memref<4194304xf32, #tpu.memory_space<hbm>> -> memref<8192xf32, #tpu.memory_space<hbm>>
    tpu.enqueue_dma source(%dma_start3A_12 : memref<8192xf32, #tpu.memory_space<hbm>>) target(%arg7 : memref<8192xf32, #tpu.memory_space<vmem>>) target_semaphore(%arg14 : memref<!tpu.dma_semaphore, #tpu.memory_space<semaphore_mem>>)
    %dma_start3A_13 = tpu.memref_slice %arg3[%add3A_10] : memref<4194304xf32, #tpu.memory_space<hbm>> -> memref<8192xf32, #tpu.memory_space<hbm>>
    %dma_start3A_14 = tpu.memref_slice %arg3[%add3A_10] : memref<4194304xf32, #tpu.memory_space<hbm>> -> memref<8192xf32, #tpu.memory_space<hbm>>
    tpu.enqueue_dma source(%dma_start3A_14 : memref<8192xf32, #tpu.memory_space<hbm>>) target(%arg9 : memref<8192xf32, #tpu.memory_space<vmem>>) target_semaphore(%arg16 : memref<!tpu.dma_semaphore, #tpu.memory_space<semaphore_mem>>)
    %broadcast_in_dim3A_15 = arith.constant 0 : i32
    %broadcast_in_dim3A_16 = vector.broadcast %broadcast_in_dim3A_15 : i32 to vector<16xi32>
    %parallel_loop3A = arith.constant 0 : i32
    %parallel_loop3A_17 = arith.constant 2048 : i32
    %parallel_loop3A_18 = arith.constant 1 : i32
    scf.for %parallel_loop3A_37 = %parallel_loop3A to %parallel_loop3A_17 step %parallel_loop3A_18  : i32 {
      %parallel_loop3A_38 = arith.constant 7 : i32
      %parallel_loop3A_39 = arith.shrsi %parallel_loop3A_37, %parallel_loop3A_38 : i32
      %parallel_loop3A_40 = arith.constant 127 : i32
      %parallel_loop3A_41 = arith.andi %parallel_loop3A_37, %parallel_loop3A_40 : i32
      %parallel_loop3A_42 = arith.constant 16 : i32
      %parallel_loop3A_43 = arith.muli %parallel_loop3A_41, %parallel_loop3A_42 : i32
      %parallel_loop3A_44 = arith.index_cast %parallel_loop3A_39 : i32 to index
      %parallel_loop3A_45 = arith.index_cast %parallel_loop3A_43 : i32 to index
      %parallel_loop3A_46 = tpu.vector_load %arg12[%parallel_loop3A_44, %parallel_loop3A_45] {strides = array<i32>} : memref<16x2048xi32, #tpu.memory_space<vmem>>, vector<16xi32>,
      tpu.vector_store %arg12[%parallel_loop3A_44, %parallel_loop3A_45], %broadcast_in_dim3A_16 {strides = array<i32>} : memref<16x2048xi32, #tpu.memory_space<vmem>>, vector<16xi32>,
    } {sc.loop_unroll_factor = 8 : i64, sc.parallel_access}
    %mul3A_19 = arith.constant 256 : i32
    %mul3A_20 = arith.muli %add3A, %mul3A_19 : i32
    %scan3A = arith.constant 0 : i32
    %scan3A_21 = arith.constant 0 : i32
    %scan3A_22 = arith.constant 8 : i32
    %scan3A_23 = arith.addi %scan3A_21, %scan3A_22 : i32
    %scan3A_24 = arith.constant 1 : i32
    scf.for %scan3A_37 = %scan3A_21 to %scan3A_23 step %scan3A_24  : i32 {
      %mul3A_38 = arith.constant 2 : i32
      %mul3A_39 = arith.muli %scan3A_37, %mul3A_38 : i32
      %add3A_40 = arith.constant 0 : i32
      %add3A_41 = arith.addi %mul3A_39, %add3A_40 : i32
      %dma_wait3A_42 = arith.constant 0 : i32
      %dma_wait3A_43 = tpu.memref_slice %arg2[%dma_wait3A_42] : memref<4194304xf32, #tpu.memory_space<hbm>> -> memref<8192xf32, #tpu.memory_space<hbm>>
      %dma_wait3A_44 = arith.constant 0 : i32
      %dma_wait3A_45 = tpu.memref_slice %arg2[%dma_wait3A_44] : memref<4194304xf32, #tpu.memory_space<hbm>> -> memref<8192xf32, #tpu.memory_space<hbm>>
      tpu.wait_dma2 semaphore(%arg13 : memref<!tpu.dma_semaphore, #tpu.memory_space<semaphore_mem>>) src(%dma_wait3A_45 : memref<8192xf32, #tpu.memory_space<hbm>>) dst(%arg6 : memref<8192xf32, #tpu.memory_space<vmem>>)
      %dma_wait3A_46 = arith.constant 0 : i32
      %dma_wait3A_47 = tpu.memref_slice %arg3[%dma_wait3A_46] : memref<4194304xf32, #tpu.memory_space<hbm>> -> memref<8192xf32, #tpu.memory_space<hbm>>
      %dma_wait3A_48 = arith.constant 0 : i32
      %dma_wait3A_49 = tpu.memref_slice %arg3[%dma_wait3A_48] : memref<4194304xf32, #tpu.memory_space<hbm>> -> memref<8192xf32, #tpu.memory_space<hbm>>
      tpu.wait_dma2 semaphore(%arg15 : memref<!tpu.dma_semaphore, #tpu.memory_space<semaphore_mem>>) src(%dma_wait3A_49 : memref<8192xf32, #tpu.memory_space<hbm>>) dst(%arg8 : memref<8192xf32, #tpu.memory_space<vmem>>)
      %gt3A = arith.constant 0 : i32
      %gt3A_50 = arith.cmpi sgt, %scan3A_37, %gt3A : i32
      %convert_element_type3A = arith.extui %gt3A_50 : i1 to i32
      %cond3A = arith.constant 0 : i32
      %cond3A_51 = arith.cmpi ne, %convert_element_type3A, %cond3A : i32
      scf.if %cond3A_51 {
        %dma_wait3A_102 = arith.constant 0 : i32
        %dma_wait3A_103 = arith.constant 0 : i32
        %dma_wait3A_104 = tpu.memref_slice %arg4[%dma_wait3A_102, %dma_wait3A_103] : memref<8192x512xi32, #tpu.memory_space<hbm>> -> memref<16x512xi32, #tpu.memory_space<hbm>>
        %dma_wait3A_105 = arith.constant 0 : i32
        %dma_wait3A_106 = arith.constant 0 : i32
        %dma_wait3A_107 = tpu.memref_slice %arg4[%dma_wait3A_105, %dma_wait3A_106] : memref<8192x512xi32, #tpu.memory_space<hbm>> -> memref<16x512xi32, #tpu.memory_space<hbm>>
        tpu.wait_dma2 semaphore(%arg17 : memref<!tpu.dma_semaphore, #tpu.memory_space<semaphore_mem>>) src(%arg10 : memref<16x512xi32, #tpu.memory_space<vmem>>) dst(%dma_wait3A_107 : memref<16x512xi32, #tpu.memory_space<hbm>>)
      } else {
      }
      %parallel_loop3A_52 = arith.constant 0 : i32
      %parallel_loop3A_53 = arith.constant 512 : i32
      %parallel_loop3A_54 = arith.constant 1 : i32
      scf.for %parallel_loop3A_102 = %parallel_loop3A_52 to %parallel_loop3A_53 step %parallel_loop3A_54  : i32 {
        %parallel_loop3A_103 = arith.constant 16 : i32
        %parallel_loop3A_104 = arith.muli %parallel_loop3A_102, %parallel_loop3A_103 : i32
        %parallel_loop3A_105 = arith.index_cast %parallel_loop3A_104 : i32 to index
        %parallel_loop3A_106 = tpu.vector_load %arg6[%parallel_loop3A_105] {strides = array<i32>} : memref<8192xf32, #tpu.memory_space<vmem>>, vector<16xf32>,
        %parallel_loop3A_107 = arith.index_cast %parallel_loop3A_104 : i32 to index
        %parallel_loop3A_108 = tpu.vector_load %arg8[%parallel_loop3A_107] {strides = array<i32>} : memref<8192xf32, #tpu.memory_space<vmem>>, vector<16xf32>,
        %parallel_loop3A_109 = arith.constant 5.000000e-01 : f32
        %parallel_loop3A_110 = vector.broadcast %parallel_loop3A_109 : f32 to vector<16xf32>
        %parallel_loop3A_111 = arith.cmpf oge, %parallel_loop3A_108, %parallel_loop3A_110 : vector<16xf32>
        %parallel_loop3A_112 = arith.constant 1.000000e+00 : f32
        %parallel_loop3A_113 = vector.broadcast %parallel_loop3A_112 : f32 to vector<16xf32>
        %parallel_loop3A_114 = arith.subf %parallel_loop3A_113, %parallel_loop3A_106 : vector<16xf32>
        %parallel_loop3A_115 = arith.select %parallel_loop3A_111, %parallel_loop3A_106, %parallel_loop3A_114 : vector<16xi1>, vector<16xf32>
        %parallel_loop3A_116 = tpu.bitcast %parallel_loop3A_115 : vector<16xf32> -> vector<16xi32>
        %parallel_loop3A_117 = arith.constant 19 : i32
        %parallel_loop3A_118 = vector.broadcast %parallel_loop3A_117 : i32 to vector<16xi32>
        %parallel_loop3A_119 = arith.shrsi %parallel_loop3A_116, %parallel_loop3A_118 : vector<16xi32>
        tpu.vector_store_idx %arg12[%iota3A, %parallel_loop3A_119], %broadcast_in_dim3A_3 {add = true} : memref<16x2048xi32, #tpu.memory_space<vmem>>[vector<16xi32>, vector<16xi32>], vector<16xi32>,
        %parallel_loop3A_120 = arith.constant -2147483648 : i32
        %parallel_loop3A_121 = vector.broadcast %parallel_loop3A_120 : i32 to vector<16xi32>
        %parallel_loop3A_122 = arith.ori %parallel_loop3A_116, %parallel_loop3A_121 : vector<16xi32>
        %parallel_loop3A_123 = arith.select %parallel_loop3A_111, %parallel_loop3A_122, %parallel_loop3A_116 : vector<16xi1>, vector<16xi32>
        %parallel_loop3A_124 = arith.constant 5 : i32
        %parallel_loop3A_125 = arith.shrsi %parallel_loop3A_102, %parallel_loop3A_124 : i32
        %parallel_loop3A_126 = arith.constant 31 : i32
        %parallel_loop3A_127 = arith.andi %parallel_loop3A_102, %parallel_loop3A_126 : i32
        %parallel_loop3A_128 = arith.constant 4 : i32
        %parallel_loop3A_129 = arith.shli %parallel_loop3A_127, %parallel_loop3A_128 : i32
        %parallel_loop3A_130 = arith.index_cast %parallel_loop3A_125 : i32 to index
        %parallel_loop3A_131 = arith.index_cast %parallel_loop3A_129 : i32 to index
        %parallel_loop3A_132 = tpu.vector_load %arg10[%parallel_loop3A_130, %parallel_loop3A_131] {strides = array<i32>} : memref<16x512xi32, #tpu.memory_space<vmem>>, vector<16xi32>,
        tpu.vector_store %arg10[%parallel_loop3A_130, %parallel_loop3A_131], %parallel_loop3A_123 {strides = array<i32>} : memref<16x512xi32, #tpu.memory_space<vmem>>, vector<16xi32>,
      } {sc.loop_unroll_factor = 8 : i64, sc.parallel_access}
      %mul3A_55 = arith.constant 16 : i32
      %mul3A_56 = arith.muli %add3A_41, %mul3A_55 : i32
      %add3A_57 = arith.addi %mul3A_20, %mul3A_56 : i32
      %dma_start3A_58 = arith.constant 0 : i32
      %dma_start3A_59 = tpu.memref_slice %arg4[%add3A_57, %dma_start3A_58] : memref<8192x512xi32, #tpu.memory_space<hbm>> -> memref<16x512xi32, #tpu.memory_space<hbm>>
      %dma_start3A_60 = arith.constant 0 : i32
      %dma_start3A_61 = tpu.memref_slice %arg4[%add3A_57, %dma_start3A_60] : memref<8192x512xi32, #tpu.memory_space<hbm>> -> memref<16x512xi32, #tpu.memory_space<hbm>>
      tpu.enqueue_dma source(%arg10 : memref<16x512xi32, #tpu.memory_space<vmem>>) target(%dma_start3A_61 : memref<16x512xi32, #tpu.memory_space<hbm>>) target_semaphore(%arg17 : memref<!tpu.dma_semaphore, #tpu.memory_space<semaphore_mem>>)
      %add3A_62 = arith.constant 2 : i32
      %add3A_63 = arith.addi %add3A_41, %add3A_62 : i32
      %lt3A = arith.constant 16 : i32
      %lt3A_64 = arith.cmpi slt, %add3A_63, %lt3A : i32
      %convert_element_type3A_65 = arith.extui %lt3A_64 : i1 to i32
      %cond3A_66 = arith.constant 0 : i32
      %cond3A_67 = arith.cmpi ne, %convert_element_type3A_65, %cond3A_66 : i32
      scf.if %cond3A_67 {
        %add3A_102 = arith.constant 2 : i32
        %add3A_103 = arith.addi %add3A_41, %add3A_102 : i32
        %mul3A_104 = arith.constant 8192 : i32
        %mul3A_105 = arith.muli %add3A_103, %mul3A_104 : i32
        %add3A_106 = arith.addi %mul3A_2, %mul3A_105 : i32
        %dma_start3A_107 = tpu.memref_slice %arg2[%add3A_106] : memref<4194304xf32, #tpu.memory_space<hbm>> -> memref<8192xf32, #tpu.memory_space<hbm>>
        %dma_start3A_108 = tpu.memref_slice %arg2[%add3A_106] : memref<4194304xf32, #tpu.memory_space<hbm>> -> memref<8192xf32, #tpu.memory_space<hbm>>
        tpu.enqueue_dma source(%dma_start3A_108 : memref<8192xf32, #tpu.memory_space<hbm>>) target(%arg6 : memref<8192xf32, #tpu.memory_space<vmem>>) target_semaphore(%arg13 : memref<!tpu.dma_semaphore, #tpu.memory_space<semaphore_mem>>)
        %dma_start3A_109 = tpu.memref_slice %arg3[%add3A_106] : memref<4194304xf32, #tpu.memory_space<hbm>> -> memref<8192xf32, #tpu.memory_space<hbm>>
        %dma_start3A_110 = tpu.memref_slice %arg3[%add3A_106] : memref<4194304xf32, #tpu.memory_space<hbm>> -> memref<8192xf32, #tpu.memory_space<hbm>>
        tpu.enqueue_dma source(%dma_start3A_110 : memref<8192xf32, #tpu.memory_space<hbm>>) target(%arg8 : memref<8192xf32, #tpu.memory_space<vmem>>) target_semaphore(%arg15 : memref<!tpu.dma_semaphore, #tpu.memory_space<semaphore_mem>>)
      } else {
      }
      %mul3A_68 = arith.constant 2 : i32
      %mul3A_69 = arith.muli %scan3A_37, %mul3A_68 : i32
      %add3A_70 = arith.constant 1 : i32
      %add3A_71 = arith.addi %mul3A_69, %add3A_70 : i32
      %dma_wait3A_72 = arith.constant 0 : i32
      %dma_wait3A_73 = tpu.memref_slice %arg2[%dma_wait3A_72] : memref<4194304xf32, #tpu.memory_space<hbm>> -> memref<8192xf32, #tpu.memory_space<hbm>>
      %dma_wait3A_74 = arith.constant 0 : i32
      %dma_wait3A_75 = tpu.memref_slice %arg2[%dma_wait3A_74] : memref<4194304xf32, #tpu.memory_space<hbm>> -> memref<8192xf32, #tpu.memory_space<hbm>>
      tpu.wait_dma2 semaphore(%arg14 : memref<!tpu.dma_semaphore, #tpu.memory_space<semaphore_mem>>) src(%dma_wait3A_75 : memref<8192xf32, #tpu.memory_space<hbm>>) dst(%arg7 : memref<8192xf32, #tpu.memory_space<vmem>>)
      %dma_wait3A_76 = arith.constant 0 : i32
      %dma_wait3A_77 = tpu.memref_slice %arg3[%dma_wait3A_76] : memref<4194304xf32, #tpu.memory_space<hbm>> -> memref<8192xf32, #tpu.memory_space<hbm>>
      %dma_wait3A_78 = arith.constant 0 : i32
      %dma_wait3A_79 = tpu.memref_slice %arg3[%dma_wait3A_78] : memref<4194304xf32, #tpu.memory_space<hbm>> -> memref<8192xf32, #tpu.memory_space<hbm>>
      tpu.wait_dma2 semaphore(%arg16 : memref<!tpu.dma_semaphore, #tpu.memory_space<semaphore_mem>>) src(%dma_wait3A_79 : memref<8192xf32, #tpu.memory_space<hbm>>) dst(%arg9 : memref<8192xf32, #tpu.memory_space<vmem>>)
      %gt3A_80 = arith.constant 0 : i32
      %gt3A_81 = arith.cmpi sgt, %scan3A_37, %gt3A_80 : i32
      %convert_element_type3A_82 = arith.extui %gt3A_81 : i1 to i32
      %cond3A_83 = arith.constant 0 : i32
      %cond3A_84 = arith.cmpi ne, %convert_element_type3A_82, %cond3A_83 : i32
      scf.if %cond3A_84 {
        %dma_wait3A_102 = arith.constant 0 : i32
        %dma_wait3A_103 = arith.constant 0 : i32
        %dma_wait3A_104 = tpu.memref_slice %arg4[%dma_wait3A_102, %dma_wait3A_103] : memref<8192x512xi32, #tpu.memory_space<hbm>> -> memref<16x512xi32, #tpu.memory_space<hbm>>
        %dma_wait3A_105 = arith.constant 0 : i32
        %dma_wait3A_106 = arith.constant 0 : i32
        %dma_wait3A_107 = tpu.memref_slice %arg4[%dma_wait3A_105, %dma_wait3A_106] : memref<8192x512xi32, #tpu.memory_space<hbm>> -> memref<16x512xi32, #tpu.memory_space<hbm>>
        tpu.wait_dma2 semaphore(%arg18 : memref<!tpu.dma_semaphore, #tpu.memory_space<semaphore_mem>>) src(%arg11 : memref<16x512xi32, #tpu.memory_space<vmem>>) dst(%dma_wait3A_107 : memref<16x512xi32, #tpu.memory_space<hbm>>)
      } else {
      }
      %parallel_loop3A_85 = arith.constant 0 : i32
      %parallel_loop3A_86 = arith.constant 512 : i32
      %parallel_loop3A_87 = arith.constant 1 : i32
      scf.for %parallel_loop3A_102 = %parallel_loop3A_85 to %parallel_loop3A_86 step %parallel_loop3A_87  : i32 {
        %parallel_loop3A_103 = arith.constant 16 : i32
        %parallel_loop3A_104 = arith.muli %parallel_loop3A_102, %parallel_loop3A_103 : i32
        %parallel_loop3A_105 = arith.index_cast %parallel_loop3A_104 : i32 to index
        %parallel_loop3A_106 = tpu.vector_load %arg7[%parallel_loop3A_105] {strides = array<i32>} : memref<8192xf32, #tpu.memory_space<vmem>>, vector<16xf32>,
        %parallel_loop3A_107 = arith.index_cast %parallel_loop3A_104 : i32 to index
        %parallel_loop3A_108 = tpu.vector_load %arg9[%parallel_loop3A_107] {strides = array<i32>} : memref<8192xf32, #tpu.memory_space<vmem>>, vector<16xf32>,
        %parallel_loop3A_109 = arith.constant 5.000000e-01 : f32
        %parallel_loop3A_110 = vector.broadcast %parallel_loop3A_109 : f32 to vector<16xf32>
        %parallel_loop3A_111 = arith.cmpf oge, %parallel_loop3A_108, %parallel_loop3A_110 : vector<16xf32>
        %parallel_loop3A_112 = arith.constant 1.000000e+00 : f32
        %parallel_loop3A_113 = vector.broadcast %parallel_loop3A_112 : f32 to vector<16xf32>
        %parallel_loop3A_114 = arith.subf %parallel_loop3A_113, %parallel_loop3A_106 : vector<16xf32>
        %parallel_loop3A_115 = arith.select %parallel_loop3A_111, %parallel_loop3A_106, %parallel_loop3A_114 : vector<16xi1>, vector<16xf32>
        %parallel_loop3A_116 = tpu.bitcast %parallel_loop3A_115 : vector<16xf32> -> vector<16xi32>
        %parallel_loop3A_117 = arith.constant 19 : i32
        %parallel_loop3A_118 = vector.broadcast %parallel_loop3A_117 : i32 to vector<16xi32>
        %parallel_loop3A_119 = arith.shrsi %parallel_loop3A_116, %parallel_loop3A_118 : vector<16xi32>
        tpu.vector_store_idx %arg12[%iota3A, %parallel_loop3A_119], %broadcast_in_dim3A_3 {add = true} : memref<16x2048xi32, #tpu.memory_space<vmem>>[vector<16xi32>, vector<16xi32>], vector<16xi32>,
        %parallel_loop3A_120 = arith.constant -2147483648 : i32
        %parallel_loop3A_121 = vector.broadcast %parallel_loop3A_120 : i32 to vector<16xi32>
        %parallel_loop3A_122 = arith.ori %parallel_loop3A_116, %parallel_loop3A_121 : vector<16xi32>
        %parallel_loop3A_123 = arith.select %parallel_loop3A_111, %parallel_loop3A_122, %parallel_loop3A_116 : vector<16xi1>, vector<16xi32>
        %parallel_loop3A_124 = arith.constant 5 : i32
        %parallel_loop3A_125 = arith.shrsi %parallel_loop3A_102, %parallel_loop3A_124 : i32
        %parallel_loop3A_126 = arith.constant 31 : i32
        %parallel_loop3A_127 = arith.andi %parallel_loop3A_102, %parallel_loop3A_126 : i32
        %parallel_loop3A_128 = arith.constant 4 : i32
        %parallel_loop3A_129 = arith.shli %parallel_loop3A_127, %parallel_loop3A_128 : i32
        %parallel_loop3A_130 = arith.index_cast %parallel_loop3A_125 : i32 to index
        %parallel_loop3A_131 = arith.index_cast %parallel_loop3A_129 : i32 to index
        %parallel_loop3A_132 = tpu.vector_load %arg11[%parallel_loop3A_130, %parallel_loop3A_131] {strides = array<i32>} : memref<16x512xi32, #tpu.memory_space<vmem>>, vector<16xi32>,
        tpu.vector_store %arg11[%parallel_loop3A_130, %parallel_loop3A_131], %parallel_loop3A_123 {strides = array<i32>} : memref<16x512xi32, #tpu.memory_space<vmem>>, vector<16xi32>,
      } {sc.loop_unroll_factor = 8 : i64, sc.parallel_access}
      %mul3A_88 = arith.constant 16 : i32
      %mul3A_89 = arith.muli %add3A_71, %mul3A_88 : i32
      %add3A_90 = arith.addi %mul3A_20, %mul3A_89 : i32
      %dma_start3A_91 = arith.constant 0 : i32
      %dma_start3A_92 = tpu.memref_slice %arg4[%add3A_90, %dma_start3A_91] : memref<8192x512xi32, #tpu.memory_space<hbm>> -> memref<16x512xi32, #tpu.memory_space<hbm>>
      %dma_start3A_93 = arith.constant 0 : i32
      %dma_start3A_94 = tpu.memref_slice %arg4[%add3A_90, %dma_start3A_93] : memref<8192x512xi32, #tpu.memory_space<hbm>> -> memref<16x512xi32, #tpu.memory_space<hbm>>
      tpu.enqueue_dma source(%arg11 : memref<16x512xi32, #tpu.memory_space<vmem>>) target(%dma_start3A_94 : memref<16x512xi32, #tpu.memory_space<hbm>>) target_semaphore(%arg18 : memref<!tpu.dma_semaphore, #tpu.memory_space<semaphore_mem>>)
      %add3A_95 = arith.constant 2 : i32
      %add3A_96 = arith.addi %add3A_71, %add3A_95 : i32
      %lt3A_97 = arith.constant 16 : i32
      %lt3A_98 = arith.cmpi slt, %add3A_96, %lt3A_97 : i32
      %convert_element_type3A_99 = arith.extui %lt3A_98 : i1 to i32
      %cond3A_100 = arith.constant 0 : i32
      %cond3A_101 = arith.cmpi ne, %convert_element_type3A_99, %cond3A_100 : i32
      scf.if %cond3A_101 {
        %add3A_102 = arith.constant 2 : i32
        %add3A_103 = arith.addi %add3A_71, %add3A_102 : i32
        %mul3A_104 = arith.constant 8192 : i32
        %mul3A_105 = arith.muli %add3A_103, %mul3A_104 : i32
        %add3A_106 = arith.addi %mul3A_2, %mul3A_105 : i32
        %dma_start3A_107 = tpu.memref_slice %arg2[%add3A_106] : memref<4194304xf32, #tpu.memory_space<hbm>> -> memref<8192xf32, #tpu.memory_space<hbm>>
        %dma_start3A_108 = tpu.memref_slice %arg2[%add3A_106] : memref<4194304xf32, #tpu.memory_space<hbm>> -> memref<8192xf32, #tpu.memory_space<hbm>>
        tpu.enqueue_dma source(%dma_start3A_108 : memref<8192xf32, #tpu.memory_space<hbm>>) target(%arg7 : memref<8192xf32, #tpu.memory_space<vmem>>) target_semaphore(%arg14 : memref<!tpu.dma_semaphore, #tpu.memory_space<semaphore_mem>>)
        %dma_start3A_109 = tpu.memref_slice %arg3[%add3A_106] : memref<4194304xf32, #tpu.memory_space<hbm>> -> memref<8192xf32, #tpu.memory_space<hbm>>
        %dma_start3A_110 = tpu.memref_slice %arg3[%add3A_106] : memref<4194304xf32, #tpu.memory_space<hbm>> -> memref<8192xf32, #tpu.memory_space<hbm>>
        tpu.enqueue_dma source(%dma_start3A_110 : memref<8192xf32, #tpu.memory_space<hbm>>) target(%arg9 : memref<8192xf32, #tpu.memory_space<vmem>>) target_semaphore(%arg16 : memref<!tpu.dma_semaphore, #tpu.memory_space<semaphore_mem>>)
      } else {
      }
    }
    %scan3A_25 = arith.constant 8 : i32
    %dma_wait3A = arith.constant 0 : i32
    %dma_wait3A_26 = arith.constant 0 : i32
    %dma_wait3A_27 = tpu.memref_slice %arg4[%dma_wait3A, %dma_wait3A_26] : memref<8192x512xi32, #tpu.memory_space<hbm>> -> memref<16x512xi32, #tpu.memory_space<hbm>>
    %dma_wait3A_28 = arith.constant 0 : i32
    %dma_wait3A_29 = arith.constant 0 : i32
    %dma_wait3A_30 = tpu.memref_slice %arg4[%dma_wait3A_28, %dma_wait3A_29] : memref<8192x512xi32, #tpu.memory_space<hbm>> -> memref<16x512xi32, #tpu.memory_space<hbm>>
    tpu.wait_dma2 semaphore(%arg17 : memref<!tpu.dma_semaphore, #tpu.memory_space<semaphore_mem>>) src(%arg10 : memref<16x512xi32, #tpu.memory_space<vmem>>) dst(%dma_wait3A_30 : memref<16x512xi32, #tpu.memory_space<hbm>>)
    %dma_wait3A_31 = arith.constant 0 : i32
    %dma_wait3A_32 = arith.constant 0 : i32
    %dma_wait3A_33 = tpu.memref_slice %arg4[%dma_wait3A_31, %dma_wait3A_32] : memref<8192x512xi32, #tpu.memory_space<hbm>> -> memref<16x512xi32, #tpu.memory_space<hbm>>
    %dma_wait3A_34 = arith.constant 0 : i32
    %dma_wait3A_35 = arith.constant 0 : i32
    %dma_wait3A_36 = tpu.memref_slice %arg4[%dma_wait3A_34, %dma_wait3A_35] : memref<8192x512xi32, #tpu.memory_space<hbm>> -> memref<16x512xi32, #tpu.memory_space<hbm>>
    tpu.wait_dma2 semaphore(%arg18 : memref<!tpu.dma_semaphore, #tpu.memory_space<semaphore_mem>>) src(%arg11 : memref<16x512xi32, #tpu.memory_space<vmem>>) dst(%dma_wait3A_36 : memref<16x512xi32, #tpu.memory_space<hbm>>)
    "tpu.region"() ({
      %run_scoped3A = tpu.sem_alloc : memref<!tpu.dma_semaphore, #tpu.memory_space<semaphore_mem>>
      %dma_start3A_37 = arith.constant 0 : i32
      %dma_start3A_38 = arith.constant 0 : i32
      %dma_start3A_39 = tpu.memref_slice %arg5[%add3A, %dma_start3A_37, %dma_start3A_38] : memref<32x16x2048xi32, #tpu.memory_space<hbm>> -> memref<1x16x2048xi32, #tpu.memory_space<hbm>>
      %dma_start3A_40 = tpu.memref_squeeze %dma_start3A_39 : memref<1x16x2048xi32, #tpu.memory_space<hbm>> -> memref<16x2048xi32, #tpu.memory_space<hbm>>
      %dma_start3A_41 = arith.constant 0 : i32
      %dma_start3A_42 = arith.constant 0 : i32
      %dma_start3A_43 = tpu.memref_slice %arg5[%add3A, %dma_start3A_41, %dma_start3A_42] : memref<32x16x2048xi32, #tpu.memory_space<hbm>> -> memref<1x16x2048xi32, #tpu.memory_space<hbm>>
      %dma_start3A_44 = tpu.memref_squeeze %dma_start3A_43 : memref<1x16x2048xi32, #tpu.memory_space<hbm>> -> memref<16x2048xi32, #tpu.memory_space<hbm>>
      tpu.enqueue_dma source(%arg12 : memref<16x2048xi32, #tpu.memory_space<vmem>>) target(%dma_start3A_44 : memref<16x2048xi32, #tpu.memory_space<hbm>>) target_semaphore(%run_scoped3A : memref<!tpu.dma_semaphore, #tpu.memory_space<semaphore_mem>>)
      %dma_wait3A_45 = arith.constant 0 : i32
      %dma_wait3A_46 = arith.constant 0 : i32
      %dma_wait3A_47 = tpu.memref_slice %arg5[%add3A, %dma_wait3A_45, %dma_wait3A_46] : memref<32x16x2048xi32, #tpu.memory_space<hbm>> -> memref<1x16x2048xi32, #tpu.memory_space<hbm>>
      %dma_wait3A_48 = tpu.memref_squeeze %dma_wait3A_47 : memref<1x16x2048xi32, #tpu.memory_space<hbm>> -> memref<16x2048xi32, #tpu.memory_space<hbm>>
      %dma_wait3A_49 = arith.constant 0 : i32
      %dma_wait3A_50 = arith.constant 0 : i32
      %dma_wait3A_51 = tpu.memref_slice %arg5[%add3A, %dma_wait3A_49, %dma_wait3A_50] : memref<32x16x2048xi32, #tpu.memory_space<hbm>> -> memref<1x16x2048xi32, #tpu.memory_space<hbm>>
      %dma_wait3A_52 = tpu.memref_squeeze %dma_wait3A_51 : memref<1x16x2048xi32, #tpu.memory_space<hbm>> -> memref<16x2048xi32, #tpu.memory_space<hbm>>
      tpu.wait_dma2 semaphore(%run_scoped3A : memref<!tpu.dma_semaphore, #tpu.memory_space<semaphore_mem>>) src(%arg12 : memref<16x2048xi32, #tpu.memory_space<vmem>>) dst(%dma_wait3A_52 : memref<16x2048xi32, #tpu.memory_space<hbm>>)
      tpu.yield
    }) : () -> ()
    return
  }
}

module attributes {stable_mosaic.version = 14 : i64} {
  func.func @_sel1_body(%arg0: memref<32x16x2048xi32, #tpu.memory_space<vmem>>, %arg1: memref<1xi32, #tpu.memory_space<smem>>, %arg2: memref<1xi32, #tpu.memory_space<smem>>, %arg3: memref<128xi32, #tpu.memory_space<vmem>>) attributes {dimension_semantics = [], scalar_prefetch = 0 : i64, scratch_operands = 0 : i64, tpu.core_type = #tpu.core_type<tc>} {
    %get3A = arith.constant 0 : index
    %get3A_0 = arith.constant 0 : index
    %get3A_1 = arith.constant 0 : index
    %get3A_2 = vector.load %arg0[%get3A, %get3A_0, %get3A_1] : memref<32x16x2048xi32, #tpu.memory_space<vmem>>, vector<32x16x2048xi32>
    %reshape3A = vector.shape_cast %get3A_2 : vector<32x16x2048xi32> to vector<512x2048xi32>
    %reduce_sum3A = arith.constant dense<0> : vector<2048xi32>
    %reduce_sum3A_3 = vector.multi_reduction <add>, %reshape3A, %reduce_sum3A [0] : vector<512x2048xi32> to vector<2048xi32>
    %reshape3A_4 = vector.shape_cast %reduce_sum3A_3 : vector<2048xi32> to vector<16x128xi32>
    %iota3A = tpu.iota {dimensions = array<i32: 1>} : vector<16x128xi32>
    %ge3A = arith.constant 1 : i32
    %ge3A_5 = vector.broadcast %ge3A : i32 to vector<16x128xi32>
    %ge3A_6 = arith.cmpi sge, %iota3A, %ge3A_5 : vector<16x128xi32>
    %roll3A = arith.constant 1 : i32
    %roll3A_7 = tpu.dynamic_rotate %reshape3A_4 by %roll3A dim 1 : vector<16x128xi32>, i32 -> vector<16x128xi32>
    %jit3A = arith.constant 0 : i32
    %broadcast_in_dim3A = vector.broadcast %jit3A : i32 to vector<16x128xi32>
    %select_n3A = arith.select %ge3A_6, %roll3A_7, %broadcast_in_dim3A : vector<16x128xi1>, vector<16x128xi32>
    %add3A = arith.addi %reshape3A_4, %select_n3A : vector<16x128xi32>
    %ge3A_8 = arith.constant 2 : i32
    %ge3A_9 = vector.broadcast %ge3A_8 : i32 to vector<16x128xi32>
    %ge3A_10 = arith.cmpi sge, %iota3A, %ge3A_9 : vector<16x128xi32>
    %roll3A_11 = arith.constant 2 : i32
    %roll3A_12 = tpu.dynamic_rotate %add3A by %roll3A_11 dim 1 : vector<16x128xi32>, i32 -> vector<16x128xi32>
    %jit3A_13 = arith.constant 0 : i32
    %broadcast_in_dim3A_14 = vector.broadcast %jit3A_13 : i32 to vector<16x128xi32>
    %select_n3A_15 = arith.select %ge3A_10, %roll3A_12, %broadcast_in_dim3A_14 : vector<16x128xi1>, vector<16x128xi32>
    %add3A_16 = arith.addi %add3A, %select_n3A_15 : vector<16x128xi32>
    %ge3A_17 = arith.constant 4 : i32
    %ge3A_18 = vector.broadcast %ge3A_17 : i32 to vector<16x128xi32>
    %ge3A_19 = arith.cmpi sge, %iota3A, %ge3A_18 : vector<16x128xi32>
    %roll3A_20 = arith.constant 4 : i32
    %roll3A_21 = tpu.dynamic_rotate %add3A_16 by %roll3A_20 dim 1 : vector<16x128xi32>, i32 -> vector<16x128xi32>
    %jit3A_22 = arith.constant 0 : i32
    %broadcast_in_dim3A_23 = vector.broadcast %jit3A_22 : i32 to vector<16x128xi32>
    %select_n3A_24 = arith.select %ge3A_19, %roll3A_21, %broadcast_in_dim3A_23 : vector<16x128xi1>, vector<16x128xi32>
    %add3A_25 = arith.addi %add3A_16, %select_n3A_24 : vector<16x128xi32>
    %ge3A_26 = arith.constant 8 : i32
    %ge3A_27 = vector.broadcast %ge3A_26 : i32 to vector<16x128xi32>
    %ge3A_28 = arith.cmpi sge, %iota3A, %ge3A_27 : vector<16x128xi32>
    %roll3A_29 = arith.constant 8 : i32
    %roll3A_30 = tpu.dynamic_rotate %add3A_25 by %roll3A_29 dim 1 : vector<16x128xi32>, i32 -> vector<16x128xi32>
    %jit3A_31 = arith.constant 0 : i32
    %broadcast_in_dim3A_32 = vector.broadcast %jit3A_31 : i32 to vector<16x128xi32>
    %select_n3A_33 = arith.select %ge3A_28, %roll3A_30, %broadcast_in_dim3A_32 : vector<16x128xi1>, vector<16x128xi32>
    %add3A_34 = arith.addi %add3A_25, %select_n3A_33 : vector<16x128xi32>
    %ge3A_35 = arith.constant 16 : i32
    %ge3A_36 = vector.broadcast %ge3A_35 : i32 to vector<16x128xi32>
    %ge3A_37 = arith.cmpi sge, %iota3A, %ge3A_36 : vector<16x128xi32>
    %roll3A_38 = arith.constant 16 : i32
    %roll3A_39 = tpu.dynamic_rotate %add3A_34 by %roll3A_38 dim 1 : vector<16x128xi32>, i32 -> vector<16x128xi32>
    %jit3A_40 = arith.constant 0 : i32
    %broadcast_in_dim3A_41 = vector.broadcast %jit3A_40 : i32 to vector<16x128xi32>
    %select_n3A_42 = arith.select %ge3A_37, %roll3A_39, %broadcast_in_dim3A_41 : vector<16x128xi1>, vector<16x128xi32>
    %add3A_43 = arith.addi %add3A_34, %select_n3A_42 : vector<16x128xi32>
    %ge3A_44 = arith.constant 32 : i32
    %ge3A_45 = vector.broadcast %ge3A_44 : i32 to vector<16x128xi32>
    %ge3A_46 = arith.cmpi sge, %iota3A, %ge3A_45 : vector<16x128xi32>
    %roll3A_47 = arith.constant 32 : i32
    %roll3A_48 = tpu.dynamic_rotate %add3A_43 by %roll3A_47 dim 1 : vector<16x128xi32>, i32 -> vector<16x128xi32>
    %jit3A_49 = arith.constant 0 : i32
    %broadcast_in_dim3A_50 = vector.broadcast %jit3A_49 : i32 to vector<16x128xi32>
    %select_n3A_51 = arith.select %ge3A_46, %roll3A_48, %broadcast_in_dim3A_50 : vector<16x128xi1>, vector<16x128xi32>
    %add3A_52 = arith.addi %add3A_43, %select_n3A_51 : vector<16x128xi32>
    %ge3A_53 = arith.constant 64 : i32
    %ge3A_54 = vector.broadcast %ge3A_53 : i32 to vector<16x128xi32>
    %ge3A_55 = arith.cmpi sge, %iota3A, %ge3A_54 : vector<16x128xi32>
    %roll3A_56 = arith.constant 64 : i32
    %roll3A_57 = tpu.dynamic_rotate %add3A_52 by %roll3A_56 dim 1 : vector<16x128xi32>, i32 -> vector<16x128xi32>
    %jit3A_58 = arith.constant 0 : i32
    %broadcast_in_dim3A_59 = vector.broadcast %jit3A_58 : i32 to vector<16x128xi32>
    %select_n3A_60 = arith.select %ge3A_55, %roll3A_57, %broadcast_in_dim3A_59 : vector<16x128xi1>, vector<16x128xi32>
    %add3A_61 = arith.addi %add3A_52, %select_n3A_60 : vector<16x128xi32>
    %iota3A_62 = tpu.iota {dimensions = array<i32: 0>} : vector<16x128xi32>
    %slice3A = vector.extract_strided_slice %add3A_61 {offsets = [0, 127], sizes = [16, 1], strides = [1, 1]} : vector<16x128xi32> to vector<16x1xi32>
    %broadcast_in_dim3A_63 = vector.shape_cast %slice3A : vector<16x1xi32> to vector<16x1xi32>
    %broadcast_in_dim3A_64 = vector.broadcast %broadcast_in_dim3A_63 : vector<16x1xi32> to vector<16x128xi32>
    %ge3A_65 = arith.constant 1 : i32
    %ge3A_66 = vector.broadcast %ge3A_65 : i32 to vector<16x128xi32>
    %ge3A_67 = arith.cmpi sge, %iota3A_62, %ge3A_66 : vector<16x128xi32>
    %roll3A_68 = arith.constant 1 : i32
    %roll3A_69 = tpu.dynamic_rotate %broadcast_in_dim3A_64 by %roll3A_68 dim 0 : vector<16x128xi32>, i32 -> vector<16x128xi32>
    %jit3A_70 = arith.constant 0 : i32
    %broadcast_in_dim3A_71 = vector.broadcast %jit3A_70 : i32 to vector<16x128xi32>
    %select_n3A_72 = arith.select %ge3A_67, %roll3A_69, %broadcast_in_dim3A_71 : vector<16x128xi1>, vector<16x128xi32>
    %add3A_73 = arith.addi %broadcast_in_dim3A_64, %select_n3A_72 : vector<16x128xi32>
    %ge3A_74 = arith.constant 2 : i32
    %ge3A_75 = vector.broadcast %ge3A_74 : i32 to vector<16x128xi32>
    %ge3A_76 = arith.cmpi sge, %iota3A_62, %ge3A_75 : vector<16x128xi32>
    %roll3A_77 = arith.constant 2 : i32
    %roll3A_78 = tpu.dynamic_rotate %add3A_73 by %roll3A_77 dim 0 : vector<16x128xi32>, i32 -> vector<16x128xi32>
    %jit3A_79 = arith.constant 0 : i32
    %broadcast_in_dim3A_80 = vector.broadcast %jit3A_79 : i32 to vector<16x128xi32>
    %select_n3A_81 = arith.select %ge3A_76, %roll3A_78, %broadcast_in_dim3A_80 : vector<16x128xi1>, vector<16x128xi32>
    %add3A_82 = arith.addi %add3A_73, %select_n3A_81 : vector<16x128xi32>
    %ge3A_83 = arith.constant 4 : i32
    %ge3A_84 = vector.broadcast %ge3A_83 : i32 to vector<16x128xi32>
    %ge3A_85 = arith.cmpi sge, %iota3A_62, %ge3A_84 : vector<16x128xi32>
    %roll3A_86 = arith.constant 4 : i32
    %roll3A_87 = tpu.dynamic_rotate %add3A_82 by %roll3A_86 dim 0 : vector<16x128xi32>, i32 -> vector<16x128xi32>
    %jit3A_88 = arith.constant 0 : i32
    %broadcast_in_dim3A_89 = vector.broadcast %jit3A_88 : i32 to vector<16x128xi32>
    %select_n3A_90 = arith.select %ge3A_85, %roll3A_87, %broadcast_in_dim3A_89 : vector<16x128xi1>, vector<16x128xi32>
    %add3A_91 = arith.addi %add3A_82, %select_n3A_90 : vector<16x128xi32>
    %ge3A_92 = arith.constant 8 : i32
    %ge3A_93 = vector.broadcast %ge3A_92 : i32 to vector<16x128xi32>
    %ge3A_94 = arith.cmpi sge, %iota3A_62, %ge3A_93 : vector<16x128xi32>
    %roll3A_95 = arith.constant 8 : i32
    %roll3A_96 = tpu.dynamic_rotate %add3A_91 by %roll3A_95 dim 0 : vector<16x128xi32>, i32 -> vector<16x128xi32>
    %jit3A_97 = arith.constant 0 : i32
    %broadcast_in_dim3A_98 = vector.broadcast %jit3A_97 : i32 to vector<16x128xi32>
    %select_n3A_99 = arith.select %ge3A_94, %roll3A_96, %broadcast_in_dim3A_98 : vector<16x128xi1>, vector<16x128xi32>
    %add3A_100 = arith.addi %add3A_91, %select_n3A_99 : vector<16x128xi32>
    %add3A_101 = arith.addi %add3A_61, %add3A_100 : vector<16x128xi32>
    %sub3A = arith.subi %add3A_101, %broadcast_in_dim3A_64 : vector<16x128xi32>
    %lt3A = arith.constant 419430 : i32
    %lt3A_102 = vector.broadcast %lt3A : i32 to vector<16x128xi32>
    %lt3A_103 = arith.cmpi slt, %sub3A, %lt3A_102 : vector<16x128xi32>
    %convert_element_type3A = arith.extui %lt3A_103 : vector<16x128xi1> to vector<16x128xi32>
    %reduce_sum3A_104 = vector.shape_cast %convert_element_type3A : vector<16x128xi32> to vector<1x16x128xi32>
    %reduce_sum3A_105 = arith.constant dense<0> : vector<1xi32>
    %reduce_sum3A_106 = vector.multi_reduction <add>, %reduce_sum3A_104, %reduce_sum3A_105 [1, 2] : vector<1x16x128xi32> to vector<1xi32>
    %reduce_sum3A_107 = vector.shape_cast %reduce_sum3A_106 : vector<1xi32> to vector<1x1x1xi32>
    %reduce_sum3A_108 = vector.extract %reduce_sum3A_107[0, 0, 0] : i32 from vector<1x1x1xi32>
    %jit3A_109 = arith.constant 0 : i32
    %broadcast_in_dim3A_110 = vector.broadcast %jit3A_109 : i32 to vector<16x128xi32>
    %select_n3A_111 = arith.select %lt3A_103, %sub3A, %broadcast_in_dim3A_110 : vector<16x128xi1>, vector<16x128xi32>
    %reduce_max3A = vector.shape_cast %select_n3A_111 : vector<16x128xi32> to vector<1x16x128xi32>
    %reduce_max3A_112 = arith.constant dense<-2147483648> : vector<1xi32>
    %reduce_max3A_113 = vector.multi_reduction <maxsi>, %reduce_max3A, %reduce_max3A_112 [1, 2] : vector<1x16x128xi32> to vector<1xi32>
    %reduce_max3A_114 = vector.shape_cast %reduce_max3A_113 : vector<1xi32> to vector<1x1x1xi32>
    %reduce_max3A_115 = vector.extract %reduce_max3A_114[0, 0, 0] : i32 from vector<1x1x1xi32>
    %swap3A = arith.constant 0 : index
    %swap3A_116 = memref.load %arg1[%swap3A] : memref<1xi32, #tpu.memory_space<smem>>
    memref.store %reduce_sum3A_108, %arg1[%swap3A] : memref<1xi32, #tpu.memory_space<smem>>
    %swap3A_117 = arith.constant 0 : index
    %swap3A_118 = memref.load %arg2[%swap3A_117] : memref<1xi32, #tpu.memory_space<smem>>
    memref.store %reduce_max3A_115, %arg2[%swap3A_117] : memref<1xi32, #tpu.memory_space<smem>>
    %broadcast_in_dim3A_119 = vector.broadcast %reduce_sum3A_108 : i32 to vector<128xi32>
    %swap3A_120 = arith.constant 0 : index
    %swap3A_121 = vector.load %arg3[%swap3A_120] : memref<128xi32, #tpu.memory_space<vmem>>, vector<128xi32>
    tpu.vector_store %arg3[%swap3A_120], %broadcast_in_dim3A_119 {strides = array<i32>} : memref<128xi32, #tpu.memory_space<vmem>>, vector<128xi32>,
    return
  }
}

module attributes {stable_mosaic.version = 14 : i64} {
  func.func @_final_body(%arg0: memref<32x16x1024xi32, #tpu.memory_space<vmem>>, %arg1: memref<4xf32, #tpu.memory_space<smem>>, %arg2: memref<1xi32, #tpu.memory_space<smem>>, %arg3: memref<1xi32, #tpu.memory_space<smem>>, %arg4: memref<3xf32, #tpu.memory_space<smem>>) attributes {dimension_semantics = [], scalar_prefetch = 0 : i64, scratch_operands = 0 : i64, tpu.core_type = #tpu.core_type<tc>} {
    %get3A = arith.constant 0 : index
    %get3A_0 = arith.constant 0 : index
    %get3A_1 = arith.constant 0 : index
    %get3A_2 = vector.load %arg0[%get3A, %get3A_0, %get3A_1] : memref<32x16x1024xi32, #tpu.memory_space<vmem>>, vector<32x16x1024xi32>
    %reshape3A = vector.shape_cast %get3A_2 : vector<32x16x1024xi32> to vector<512x1024xi32>
    %reduce_sum3A = arith.constant dense<0> : vector<1024xi32>
    %reduce_sum3A_3 = vector.multi_reduction <add>, %reshape3A, %reduce_sum3A [0] : vector<512x1024xi32> to vector<1024xi32>
    %reshape3A_4 = vector.shape_cast %reduce_sum3A_3 : vector<1024xi32> to vector<8x128xi32>
    %get3A_5 = arith.constant 0 : index
    %get3A_6 = memref.load %arg3[%get3A_5] : memref<1xi32, #tpu.memory_space<smem>>
    %iota3A = tpu.iota {dimensions = array<i32: 1>} : vector<8x128xi32>
    %ge3A = arith.constant 1 : i32
    %ge3A_7 = vector.broadcast %ge3A : i32 to vector<8x128xi32>
    %ge3A_8 = arith.cmpi sge, %iota3A, %ge3A_7 : vector<8x128xi32>
    %roll3A = arith.constant 1 : i32
    %roll3A_9 = tpu.dynamic_rotate %reshape3A_4 by %roll3A dim 1 : vector<8x128xi32>, i32 -> vector<8x128xi32>
    %jit3A = arith.constant 0 : i32
    %broadcast_in_dim3A = vector.broadcast %jit3A : i32 to vector<8x128xi32>
    %select_n3A = arith.select %ge3A_8, %roll3A_9, %broadcast_in_dim3A : vector<8x128xi1>, vector<8x128xi32>
    %add3A = arith.addi %reshape3A_4, %select_n3A : vector<8x128xi32>
    %ge3A_10 = arith.constant 2 : i32
    %ge3A_11 = vector.broadcast %ge3A_10 : i32 to vector<8x128xi32>
    %ge3A_12 = arith.cmpi sge, %iota3A, %ge3A_11 : vector<8x128xi32>
    %roll3A_13 = arith.constant 2 : i32
    %roll3A_14 = tpu.dynamic_rotate %add3A by %roll3A_13 dim 1 : vector<8x128xi32>, i32 -> vector<8x128xi32>
    %jit3A_15 = arith.constant 0 : i32
    %broadcast_in_dim3A_16 = vector.broadcast %jit3A_15 : i32 to vector<8x128xi32>
    %select_n3A_17 = arith.select %ge3A_12, %roll3A_14, %broadcast_in_dim3A_16 : vector<8x128xi1>, vector<8x128xi32>
    %add3A_18 = arith.addi %add3A, %select_n3A_17 : vector<8x128xi32>
    %ge3A_19 = arith.constant 4 : i32
    %ge3A_20 = vector.broadcast %ge3A_19 : i32 to vector<8x128xi32>
    %ge3A_21 = arith.cmpi sge, %iota3A, %ge3A_20 : vector<8x128xi32>
    %roll3A_22 = arith.constant 4 : i32
    %roll3A_23 = tpu.dynamic_rotate %add3A_18 by %roll3A_22 dim 1 : vector<8x128xi32>, i32 -> vector<8x128xi32>
    %jit3A_24 = arith.constant 0 : i32
    %broadcast_in_dim3A_25 = vector.broadcast %jit3A_24 : i32 to vector<8x128xi32>
    %select_n3A_26 = arith.select %ge3A_21, %roll3A_23, %broadcast_in_dim3A_25 : vector<8x128xi1>, vector<8x128xi32>
    %add3A_27 = arith.addi %add3A_18, %select_n3A_26 : vector<8x128xi32>
    %ge3A_28 = arith.constant 8 : i32
    %ge3A_29 = vector.broadcast %ge3A_28 : i32 to vector<8x128xi32>
    %ge3A_30 = arith.cmpi sge, %iota3A, %ge3A_29 : vector<8x128xi32>
    %roll3A_31 = arith.constant 8 : i32
    %roll3A_32 = tpu.dynamic_rotate %add3A_27 by %roll3A_31 dim 1 : vector<8x128xi32>, i32 -> vector<8x128xi32>
    %jit3A_33 = arith.constant 0 : i32
    %broadcast_in_dim3A_34 = vector.broadcast %jit3A_33 : i32 to vector<8x128xi32>
    %select_n3A_35 = arith.select %ge3A_30, %roll3A_32, %broadcast_in_dim3A_34 : vector<8x128xi1>, vector<8x128xi32>
    %add3A_36 = arith.addi %add3A_27, %select_n3A_35 : vector<8x128xi32>
    %ge3A_37 = arith.constant 16 : i32
    %ge3A_38 = vector.broadcast %ge3A_37 : i32 to vector<8x128xi32>
    %ge3A_39 = arith.cmpi sge, %iota3A, %ge3A_38 : vector<8x128xi32>
    %roll3A_40 = arith.constant 16 : i32
    %roll3A_41 = tpu.dynamic_rotate %add3A_36 by %roll3A_40 dim 1 : vector<8x128xi32>, i32 -> vector<8x128xi32>
    %jit3A_42 = arith.constant 0 : i32
    %broadcast_in_dim3A_43 = vector.broadcast %jit3A_42 : i32 to vector<8x128xi32>
    %select_n3A_44 = arith.select %ge3A_39, %roll3A_41, %broadcast_in_dim3A_43 : vector<8x128xi1>, vector<8x128xi32>
    %add3A_45 = arith.addi %add3A_36, %select_n3A_44 : vector<8x128xi32>
    %ge3A_46 = arith.constant 32 : i32
    %ge3A_47 = vector.broadcast %ge3A_46 : i32 to vector<8x128xi32>
    %ge3A_48 = arith.cmpi sge, %iota3A, %ge3A_47 : vector<8x128xi32>
    %roll3A_49 = arith.constant 32 : i32
    %roll3A_50 = tpu.dynamic_rotate %add3A_45 by %roll3A_49 dim 1 : vector<8x128xi32>, i32 -> vector<8x128xi32>
    %jit3A_51 = arith.constant 0 : i32
    %broadcast_in_dim3A_52 = vector.broadcast %jit3A_51 : i32 to vector<8x128xi32>
    %select_n3A_53 = arith.select %ge3A_48, %roll3A_50, %broadcast_in_dim3A_52 : vector<8x128xi1>, vector<8x128xi32>
    %add3A_54 = arith.addi %add3A_45, %select_n3A_53 : vector<8x128xi32>
    %ge3A_55 = arith.constant 64 : i32
    %ge3A_56 = vector.broadcast %ge3A_55 : i32 to vector<8x128xi32>
    %ge3A_57 = arith.cmpi sge, %iota3A, %ge3A_56 : vector<8x128xi32>
    %roll3A_58 = arith.constant 64 : i32
    %roll3A_59 = tpu.dynamic_rotate %add3A_54 by %roll3A_58 dim 1 : vector<8x128xi32>, i32 -> vector<8x128xi32>
    %jit3A_60 = arith.constant 0 : i32
    %broadcast_in_dim3A_61 = vector.broadcast %jit3A_60 : i32 to vector<8x128xi32>
    %select_n3A_62 = arith.select %ge3A_57, %roll3A_59, %broadcast_in_dim3A_61 : vector<8x128xi1>, vector<8x128xi32>
    %add3A_63 = arith.addi %add3A_54, %select_n3A_62 : vector<8x128xi32>
    %iota3A_64 = tpu.iota {dimensions = array<i32: 0>} : vector<8x128xi32>
    %slice3A = vector.extract_strided_slice %add3A_63 {offsets = [0, 127], sizes = [8, 1], strides = [1, 1]} : vector<8x128xi32> to vector<8x1xi32>
    %broadcast_in_dim3A_65 = vector.shape_cast %slice3A : vector<8x1xi32> to vector<8x1xi32>
    %broadcast_in_dim3A_66 = vector.broadcast %broadcast_in_dim3A_65 : vector<8x1xi32> to vector<8x128xi32>
    %ge3A_67 = arith.constant 1 : i32
    %ge3A_68 = vector.broadcast %ge3A_67 : i32 to vector<8x128xi32>
    %ge3A_69 = arith.cmpi sge, %iota3A_64, %ge3A_68 : vector<8x128xi32>
    %roll3A_70 = arith.constant 1 : i32
    %roll3A_71 = tpu.dynamic_rotate %broadcast_in_dim3A_66 by %roll3A_70 dim 0 : vector<8x128xi32>, i32 -> vector<8x128xi32>
    %jit3A_72 = arith.constant 0 : i32
    %broadcast_in_dim3A_73 = vector.broadcast %jit3A_72 : i32 to vector<8x128xi32>
    %select_n3A_74 = arith.select %ge3A_69, %roll3A_71, %broadcast_in_dim3A_73 : vector<8x128xi1>, vector<8x128xi32>
    %add3A_75 = arith.addi %broadcast_in_dim3A_66, %select_n3A_74 : vector<8x128xi32>
    %ge3A_76 = arith.constant 2 : i32
    %ge3A_77 = vector.broadcast %ge3A_76 : i32 to vector<8x128xi32>
    %ge3A_78 = arith.cmpi sge, %iota3A_64, %ge3A_77 : vector<8x128xi32>
    %roll3A_79 = arith.constant 2 : i32
    %roll3A_80 = tpu.dynamic_rotate %add3A_75 by %roll3A_79 dim 0 : vector<8x128xi32>, i32 -> vector<8x128xi32>
    %jit3A_81 = arith.constant 0 : i32
    %broadcast_in_dim3A_82 = vector.broadcast %jit3A_81 : i32 to vector<8x128xi32>
    %select_n3A_83 = arith.select %ge3A_78, %roll3A_80, %broadcast_in_dim3A_82 : vector<8x128xi1>, vector<8x128xi32>
    %add3A_84 = arith.addi %add3A_75, %select_n3A_83 : vector<8x128xi32>
    %ge3A_85 = arith.constant 4 : i32
    %ge3A_86 = vector.broadcast %ge3A_85 : i32 to vector<8x128xi32>
    %ge3A_87 = arith.cmpi sge, %iota3A_64, %ge3A_86 : vector<8x128xi32>
    %roll3A_88 = arith.constant 4 : i32
    %roll3A_89 = tpu.dynamic_rotate %add3A_84 by %roll3A_88 dim 0 : vector<8x128xi32>, i32 -> vector<8x128xi32>
    %jit3A_90 = arith.constant 0 : i32
    %broadcast_in_dim3A_91 = vector.broadcast %jit3A_90 : i32 to vector<8x128xi32>
    %select_n3A_92 = arith.select %ge3A_87, %roll3A_89, %broadcast_in_dim3A_91 : vector<8x128xi1>, vector<8x128xi32>
    %add3A_93 = arith.addi %add3A_84, %select_n3A_92 : vector<8x128xi32>
    %add3A_94 = arith.addi %add3A_63, %add3A_93 : vector<8x128xi32>
    %sub3A = arith.subi %add3A_94, %broadcast_in_dim3A_66 : vector<8x128xi32>
    %add3A_95 = vector.broadcast %get3A_6 : i32 to vector<8x128xi32>
    %add3A_96 = arith.addi %sub3A, %add3A_95 : vector<8x128xi32>
    %lt3A = arith.constant 419430 : i32
    %lt3A_97 = vector.broadcast %lt3A : i32 to vector<8x128xi32>
    %lt3A_98 = arith.cmpi slt, %add3A_96, %lt3A_97 : vector<8x128xi32>
    %convert_element_type3A = arith.extui %lt3A_98 : vector<8x128xi1> to vector<8x128xi32>
    %reduce_sum3A_99 = vector.shape_cast %convert_element_type3A : vector<8x128xi32> to vector<1x8x128xi32>
    %reduce_sum3A_100 = arith.constant dense<0> : vector<1xi32>
    %reduce_sum3A_101 = vector.multi_reduction <add>, %reduce_sum3A_99, %reduce_sum3A_100 [1, 2] : vector<1x8x128xi32> to vector<1xi32>
    %reduce_sum3A_102 = vector.shape_cast %reduce_sum3A_101 : vector<1xi32> to vector<1x1x1xi32>
    %reduce_sum3A_103 = vector.extract %reduce_sum3A_102[0, 0, 0] : i32 from vector<1x1x1xi32>
    %broadcast_in_dim3A_104 = vector.broadcast %get3A_6 : i32 to vector<8x128xi32>
    %select_n3A_105 = arith.select %lt3A_98, %add3A_96, %broadcast_in_dim3A_104 : vector<8x128xi1>, vector<8x128xi32>
    %reduce_max3A = vector.shape_cast %select_n3A_105 : vector<8x128xi32> to vector<1x8x128xi32>
    %reduce_max3A_106 = arith.constant dense<-2147483648> : vector<1xi32>
    %reduce_max3A_107 = vector.multi_reduction <maxsi>, %reduce_max3A, %reduce_max3A_106 [1, 2] : vector<1x8x128xi32> to vector<1xi32>
    %reduce_max3A_108 = vector.shape_cast %reduce_max3A_107 : vector<1xi32> to vector<1x1x1xi32>
    %reduce_max3A_109 = vector.extract %reduce_max3A_108[0, 0, 0] : i32 from vector<1x1x1xi32>
    %sub3A_110 = arith.constant 419430 : i32
    %sub3A_111 = arith.subi %sub3A_110, %reduce_max3A_109 : i32
    %convert_element_type3A_112 = arith.sitofp %sub3A_111 : i32 to f32
    %iota3A_113 = tpu.iota {dimensions = array<i32: 0>} : vector<8x128xi32>
    %mul3A = arith.constant 128 : i32
    %mul3A_114 = vector.broadcast %mul3A : i32 to vector<8x128xi32>
    %mul3A_115 = arith.muli %iota3A_113, %mul3A_114 : vector<8x128xi32>
    %iota3A_116 = tpu.iota {dimensions = array<i32: 1>} : vector<8x128xi32>
    %add3A_117 = arith.addi %mul3A_115, %iota3A_116 : vector<8x128xi32>
    %get3A_118 = arith.constant 0 : index
    %get3A_119 = memref.load %arg2[%get3A_118] : memref<1xi32, #tpu.memory_space<smem>>
    %shift_left3A = arith.constant 19 : i32
    %shift_left3A_120 = arith.shli %get3A_119, %shift_left3A : i32
    %shift_left3A_121 = arith.constant 9 : i32
    %shift_left3A_122 = vector.broadcast %shift_left3A_121 : i32 to vector<8x128xi32>
    %shift_left3A_123 = arith.shli %add3A_117, %shift_left3A_122 : vector<8x128xi32>
    %or3A = vector.broadcast %shift_left3A_120 : i32 to vector<8x128xi32>
    %or3A_124 = arith.ori %or3A, %shift_left3A_123 : vector<8x128xi32>
    %or3A_125 = arith.constant 256 : i32
    %or3A_126 = vector.broadcast %or3A_125 : i32 to vector<8x128xi32>
    %or3A_127 = arith.ori %or3A_124, %or3A_126 : vector<8x128xi32>
    %bitcast_convert_type3A = tpu.bitcast %or3A_127 : vector<8x128xi32> -> vector<8x128xf32>
    %add3A_128 = arith.constant 9.99999974E-5 : f32
    %add3A_129 = vector.broadcast %add3A_128 : f32 to vector<8x128xf32>
    %add3A_130 = arith.addf %bitcast_convert_type3A, %add3A_129 : vector<8x128xf32>
    %log3A = math.log %add3A_130 : vector<8x128xf32>
    %neg3A = arith.constant 0.000000e+00 : f32
    %neg3A_131 = vector.broadcast %neg3A : f32 to vector<8x128xf32>
    %neg3A_132 = arith.subf %neg3A_131, %log3A : vector<8x128xf32>
    %lt3A_133 = vector.broadcast %reduce_sum3A_103 : i32 to vector<8x128xi32>
    %lt3A_134 = arith.cmpi slt, %add3A_117, %lt3A_133 : vector<8x128xi32>
    %convert_element_type3A_135 = arith.sitofp %reshape3A_4 : vector<8x128xi32> to vector<8x128xf32>
    %mul3A_136 = arith.mulf %convert_element_type3A_135, %neg3A_132 : vector<8x128xf32>
    %jit3A_137 = arith.constant 0.000000e+00 : f32
    %broadcast_in_dim3A_138 = vector.broadcast %jit3A_137 : f32 to vector<8x128xf32>
    %select_n3A_139 = arith.select %lt3A_134, %mul3A_136, %broadcast_in_dim3A_138 : vector<8x128xi1>, vector<8x128xf32>
    %reduce_sum3A_140 = vector.shape_cast %select_n3A_139 : vector<8x128xf32> to vector<1x8x128xf32>
    %reduce_sum3A_141 = arith.constant dense<0.000000e+00> : vector<1xf32>
    %reduce_sum3A_142 = vector.multi_reduction <add>, %reduce_sum3A_140, %reduce_sum3A_141 [1, 2] : vector<1x8x128xf32> to vector<1xf32>
    %reduce_sum3A_143 = vector.shape_cast %reduce_sum3A_142 : vector<1xf32> to vector<1x1x1xf32>
    %reduce_sum3A_144 = vector.extract %reduce_sum3A_143[0, 0, 0] : f32 from vector<1x1x1xf32>
    %eq3A = vector.broadcast %reduce_sum3A_103 : i32 to vector<8x128xi32>
    %eq3A_145 = arith.cmpi eq, %add3A_117, %eq3A : vector<8x128xi32>
    %jit3A_146 = arith.constant 0.000000e+00 : f32
    %broadcast_in_dim3A_147 = vector.broadcast %jit3A_146 : f32 to vector<8x128xf32>
    %select_n3A_148 = arith.select %eq3A_145, %neg3A_132, %broadcast_in_dim3A_147 : vector<8x128xi1>, vector<8x128xf32>
    %reduce_sum3A_149 = vector.shape_cast %select_n3A_148 : vector<8x128xf32> to vector<1x8x128xf32>
    %reduce_sum3A_150 = arith.constant dense<0.000000e+00> : vector<1xf32>
    %reduce_sum3A_151 = vector.multi_reduction <add>, %reduce_sum3A_149, %reduce_sum3A_150 [1, 2] : vector<1x8x128xf32> to vector<1xf32>
    %reduce_sum3A_152 = vector.shape_cast %reduce_sum3A_151 : vector<1xf32> to vector<1x1x1xf32>
    %reduce_sum3A_153 = vector.extract %reduce_sum3A_152[0, 0, 0] : f32 from vector<1x1x1xf32>
    %get3A_154 = arith.constant 0 : index
    %get3A_155 = memref.load %arg1[%get3A_154] : memref<4xf32, #tpu.memory_space<smem>>
    %add3A_156 = arith.addf %get3A_155, %reduce_sum3A_144 : f32
    %mul3A_157 = arith.mulf %convert_element_type3A_112, %reduce_sum3A_153 : f32
    %add3A_158 = arith.addf %add3A_156, %mul3A_157 : f32
    %div3A = arith.constant 4.194300e+05 : f32
    %div3A_159 = arith.divf %add3A_158, %div3A : f32
    %get3A_160 = arith.constant 1 : index
    %get3A_161 = memref.load %arg1[%get3A_160] : memref<4xf32, #tpu.memory_space<smem>>
    %add3A_162 = arith.constant 9.99999974E-6 : f32
    %add3A_163 = arith.addf %get3A_161, %add3A_162 : f32
    %mul3A_164 = arith.constant 2.000000e+00 : f32
    %mul3A_165 = arith.mulf %mul3A_164, %add3A_163 : f32
    %get3A_166 = arith.constant 2 : index
    %get3A_167 = memref.load %arg1[%get3A_166] : memref<4xf32, #tpu.memory_space<smem>>
    %get3A_168 = arith.constant 3 : index
    %get3A_169 = memref.load %arg1[%get3A_168] : memref<4xf32, #tpu.memory_space<smem>>
    %add3A_170 = arith.addf %get3A_167, %get3A_169 : f32
    %add3A_171 = arith.constant 9.99999974E-6 : f32
    %add3A_172 = arith.addf %add3A_170, %add3A_171 : f32
    %div3A_173 = arith.divf %mul3A_165, %add3A_172 : f32
    %sub3A_174 = arith.constant 1.000000e+00 : f32
    %sub3A_175 = arith.subf %sub3A_174, %div3A_173 : f32
    %add3A_176 = arith.addf %div3A_159, %sub3A_175 : f32
    %swap3A = arith.constant 0 : index
    %swap3A_177 = memref.load %arg4[%swap3A] : memref<3xf32, #tpu.memory_space<smem>>
    memref.store %add3A_176, %arg4[%swap3A] : memref<3xf32, #tpu.memory_space<smem>>
    %swap3A_178 = arith.constant 1 : index
    %swap3A_179 = memref.load %arg4[%swap3A_178] : memref<3xf32, #tpu.memory_space<smem>>
    memref.store %div3A_159, %arg4[%swap3A_178] : memref<3xf32, #tpu.memory_space<smem>>
    %swap3A_180 = arith.constant 2 : index
    %swap3A_181 = memref.load %arg4[%swap3A_180] : memref<3xf32, #tpu.memory_space<smem>>
    memref.store %sub3A_175, %arg4[%swap3A_180] : memref<3xf32, #tpu.memory_space<smem>>
    return
  }
}

module attributes {stable_mosaic.version = 14 : i64} {
  func.func @_tc_body(%arg0: i32, %arg1: memref<1xi32, #tpu.memory_space<smem>>, %arg2: memref<256x512xi32, #tpu.memory_space<vmem>>, %arg3: memref<4xf32, #tpu.memory_space<smem>>) attributes {dimension_semantics = [#tpu.dimension_semantics<arbitrary>], iteration_bounds = array<i64: 32>, scalar_prefetch = 0 : i64, scratch_operands = 0 : i64, tpu.core_type = #tpu.core_type<tc>, window_params = [{transform_indices = @transform_0, window_bounds = array<i64: 1>}, {transform_indices = @transform_1, window_bounds = array<i64: 256, 512>}, {transform_indices = @transform_2, window_bounds = array<i64: 4>}]} {
    %eq3A = arith.constant 0 : i32
    %eq3A_0 = arith.cmpi eq, %arg0, %eq3A : i32
    %convert_element_type3A = arith.extui %eq3A_0 : i1 to i32
    %cond3A = arith.constant 0 : i32
    %cond3A_1 = arith.cmpi ne, %convert_element_type3A, %cond3A : i32
    scf.if %cond3A_1 {
      %swap3A_67 = arith.constant 0.000000e+00 : f32
      %swap3A_68 = arith.constant 0 : index
      %swap3A_69 = memref.load %arg3[%swap3A_68] : memref<4xf32, #tpu.memory_space<smem>>
      memref.store %swap3A_67, %arg3[%swap3A_68] : memref<4xf32, #tpu.memory_space<smem>>
      %swap3A_70 = arith.constant 0.000000e+00 : f32
      %swap3A_71 = arith.constant 1 : index
      %swap3A_72 = memref.load %arg3[%swap3A_71] : memref<4xf32, #tpu.memory_space<smem>>
      memref.store %swap3A_70, %arg3[%swap3A_71] : memref<4xf32, #tpu.memory_space<smem>>
      %swap3A_73 = arith.constant 0.000000e+00 : f32
      %swap3A_74 = arith.constant 2 : index
      %swap3A_75 = memref.load %arg3[%swap3A_74] : memref<4xf32, #tpu.memory_space<smem>>
      memref.store %swap3A_73, %arg3[%swap3A_74] : memref<4xf32, #tpu.memory_space<smem>>
      %swap3A_76 = arith.constant 0.000000e+00 : f32
      %swap3A_77 = arith.constant 3 : index
      %swap3A_78 = memref.load %arg3[%swap3A_77] : memref<4xf32, #tpu.memory_space<smem>>
      memref.store %swap3A_76, %arg3[%swap3A_77] : memref<4xf32, #tpu.memory_space<smem>>
    } else {
    }
    %get3A = arith.constant 0 : index
    %get3A_2 = arith.constant 0 : index
    %get3A_3 = vector.load %arg2[%get3A, %get3A_2] : memref<256x512xi32, #tpu.memory_space<vmem>>, vector<256x512xi32>
    %and3A = arith.constant 2147483647 : i32
    %and3A_4 = vector.broadcast %and3A : i32 to vector<256x512xi32>
    %and3A_5 = arith.andi %get3A_3, %and3A_4 : vector<256x512xi32>
    %lt3A = arith.constant 0 : i32
    %lt3A_6 = vector.broadcast %lt3A : i32 to vector<256x512xi32>
    %lt3A_7 = arith.cmpi slt, %get3A_3, %lt3A_6 : vector<256x512xi32>
    %bitcast_convert_type3A = tpu.bitcast %and3A_5 : vector<256x512xi32> -> vector<256x512xf32>
    %add3A = arith.constant 9.99999974E-5 : f32
    %add3A_8 = vector.broadcast %add3A : f32 to vector<256x512xf32>
    %add3A_9 = arith.addf %bitcast_convert_type3A, %add3A_8 : vector<256x512xf32>
    %log3A = math.log %add3A_9 : vector<256x512xf32>
    %neg3A = arith.constant 0.000000e+00 : f32
    %neg3A_10 = vector.broadcast %neg3A : f32 to vector<256x512xf32>
    %neg3A_11 = arith.subf %neg3A_10, %log3A : vector<256x512xf32>
    %shift_right_arithmetic3A = arith.constant 19 : i32
    %shift_right_arithmetic3A_12 = vector.broadcast %shift_right_arithmetic3A : i32 to vector<256x512xi32>
    %shift_right_arithmetic3A_13 = arith.shrsi %and3A_5, %shift_right_arithmetic3A_12 : vector<256x512xi32>
    %get3A_14 = arith.constant 0 : index
    %get3A_15 = memref.load %arg1[%get3A_14] : memref<1xi32, #tpu.memory_space<smem>>
    %lt3A_16 = vector.broadcast %get3A_15 : i32 to vector<256x512xi32>
    %lt3A_17 = arith.cmpi slt, %shift_right_arithmetic3A_13, %lt3A_16 : vector<256x512xi32>
    %get3A_18 = arith.constant 0 : index
    %get3A_19 = memref.load %arg3[%get3A_18] : memref<4xf32, #tpu.memory_space<smem>>
    %jit3A = arith.constant 0.000000e+00 : f32
    %broadcast_in_dim3A = vector.broadcast %jit3A : f32 to vector<256x512xf32>
    %select_n3A = arith.select %lt3A_17, %neg3A_11, %broadcast_in_dim3A : vector<256x512xi1>, vector<256x512xf32>
    %reduce_sum3A = vector.shape_cast %select_n3A : vector<256x512xf32> to vector<1x256x512xf32>
    %reduce_sum3A_20 = arith.constant dense<0.000000e+00> : vector<1xf32>
    %reduce_sum3A_21 = vector.multi_reduction <add>, %reduce_sum3A, %reduce_sum3A_20 [1, 2] : vector<1x256x512xf32> to vector<1xf32>
    %reduce_sum3A_22 = vector.shape_cast %reduce_sum3A_21 : vector<1xf32> to vector<1x1x1xf32>
    %reduce_sum3A_23 = vector.extract %reduce_sum3A_22[0, 0, 0] : f32 from vector<1x1x1xf32>
    %add3A_24 = arith.addf %get3A_19, %reduce_sum3A_23 : f32
    %swap3A = arith.constant 0 : index
    %swap3A_25 = memref.load %arg3[%swap3A] : memref<4xf32, #tpu.memory_space<smem>>
    memref.store %add3A_24, %arg3[%swap3A] : memref<4xf32, #tpu.memory_space<smem>>
    %get3A_26 = arith.constant 1 : index
    %get3A_27 = memref.load %arg3[%get3A_26] : memref<4xf32, #tpu.memory_space<smem>>
    %jit3A_28 = arith.constant 0.000000e+00 : f32
    %broadcast_in_dim3A_29 = vector.broadcast %jit3A_28 : f32 to vector<256x512xf32>
    %select_n3A_30 = arith.select %lt3A_7, %bitcast_convert_type3A, %broadcast_in_dim3A_29 : vector<256x512xi1>, vector<256x512xf32>
    %reduce_sum3A_31 = vector.shape_cast %select_n3A_30 : vector<256x512xf32> to vector<1x256x512xf32>
    %reduce_sum3A_32 = arith.constant dense<0.000000e+00> : vector<1xf32>
    %reduce_sum3A_33 = vector.multi_reduction <add>, %reduce_sum3A_31, %reduce_sum3A_32 [1, 2] : vector<1x256x512xf32> to vector<1xf32>
    %reduce_sum3A_34 = vector.shape_cast %reduce_sum3A_33 : vector<1xf32> to vector<1x1x1xf32>
    %reduce_sum3A_35 = vector.extract %reduce_sum3A_34[0, 0, 0] : f32 from vector<1x1x1xf32>
    %add3A_36 = arith.addf %get3A_27, %reduce_sum3A_35 : f32
    %swap3A_37 = arith.constant 1 : index
    %swap3A_38 = memref.load %arg3[%swap3A_37] : memref<4xf32, #tpu.memory_space<smem>>
    memref.store %add3A_36, %arg3[%swap3A_37] : memref<4xf32, #tpu.memory_space<smem>>
    %get3A_39 = arith.constant 2 : index
    %get3A_40 = memref.load %arg3[%get3A_39] : memref<4xf32, #tpu.memory_space<smem>>
    %sub3A = arith.constant 1.000000e+00 : f32
    %sub3A_41 = vector.broadcast %sub3A : f32 to vector<256x512xf32>
    %sub3A_42 = arith.subf %sub3A_41, %bitcast_convert_type3A : vector<256x512xf32>
    %select_n3A_43 = arith.select %lt3A_7, %bitcast_convert_type3A, %sub3A_42 : vector<256x512xi1>, vector<256x512xf32>
    %reduce_sum3A_44 = vector.shape_cast %select_n3A_43 : vector<256x512xf32> to vector<1x256x512xf32>
    %reduce_sum3A_45 = arith.constant dense<0.000000e+00> : vector<1xf32>
    %reduce_sum3A_46 = vector.multi_reduction <add>, %reduce_sum3A_44, %reduce_sum3A_45 [1, 2] : vector<1x256x512xf32> to vector<1xf32>
    %reduce_sum3A_47 = vector.shape_cast %reduce_sum3A_46 : vector<1xf32> to vector<1x1x1xf32>
    %reduce_sum3A_48 = vector.extract %reduce_sum3A_47[0, 0, 0] : f32 from vector<1x1x1xf32>
    %add3A_49 = arith.addf %get3A_40, %reduce_sum3A_48 : f32
    %swap3A_50 = arith.constant 2 : index
    %swap3A_51 = memref.load %arg3[%swap3A_50] : memref<4xf32, #tpu.memory_space<smem>>
    memref.store %add3A_49, %arg3[%swap3A_50] : memref<4xf32, #tpu.memory_space<smem>>
    %get3A_52 = arith.constant 3 : index
    %get3A_53 = memref.load %arg3[%get3A_52] : memref<4xf32, #tpu.memory_space<smem>>
    %jit3A_54 = arith.constant 1.000000e+00 : f32
    %jit3A_55 = arith.constant 0.000000e+00 : f32
    %broadcast_in_dim3A_56 = vector.broadcast %jit3A_54 : f32 to vector<256x512xf32>
    %broadcast_in_dim3A_57 = vector.broadcast %jit3A_55 : f32 to vector<256x512xf32>
    %select_n3A_58 = arith.select %lt3A_7, %broadcast_in_dim3A_56, %broadcast_in_dim3A_57 : vector<256x512xi1>, vector<256x512xf32>
    %reduce_sum3A_59 = vector.shape_cast %select_n3A_58 : vector<256x512xf32> to vector<1x256x512xf32>
    %reduce_sum3A_60 = arith.constant dense<0.000000e+00> : vector<1xf32>
    %reduce_sum3A_61 = vector.multi_reduction <add>, %reduce_sum3A_59, %reduce_sum3A_60 [1, 2] : vector<1x256x512xf32> to vector<1xf32>
    %reduce_sum3A_62 = vector.shape_cast %reduce_sum3A_61 : vector<1xf32> to vector<1x1x1xf32>
    %reduce_sum3A_63 = vector.extract %reduce_sum3A_62[0, 0, 0] : f32 from vector<1x1x1xf32>
    %add3A_64 = arith.addf %get3A_53, %reduce_sum3A_63 : f32
    %swap3A_65 = arith.constant 3 : index
    %swap3A_66 = memref.load %arg3[%swap3A_65] : memref<4xf32, #tpu.memory_space<smem>>
    memref.store %add3A_64, %arg3[%swap3A_65] : memref<4xf32, #tpu.memory_space<smem>>
    return
  }
  func.func @transform_0(%arg0: i32) -> i32 {
    %c0_i32 = arith.constant 0 : i32
    %c0_i32_0 = arith.constant 0 : i32
    return %c0_i32 : i32
  }
  func.func @transform_1(%arg0: i32) -> (i32, i32) {
    %c0_i32 = arith.constant 0 : i32
    %c0_i32_0 = arith.constant 0 : i32
    return %arg0, %c0_i32 : i32, i32
  }
  func.func @transform_2(%arg0: i32) -> i32 {
    %c0_i32 = arith.constant 0 : i32
    %c0_i32_0 = arith.constant 0 : i32
    return %c0_i32 : i32
  }
}

</mosaic_0001>

<sc_bundles>
// kernel: kernel.10.cloned.1.call-start
scs
__scs_entry_jumppad:
0x0: {  	(pc) =	sbr.rel $0x88, $3  }
0x1: {  	(tag) =	ssettag $0x0;
	lr =	simm.s32 $0x1  }
0x2: {  	[smem:$0x3F9F] =	sst lr;
	_ =	strace $0xD0000000  }
0x3: {  	_ = 	snop  }
0x4: {  	_ = 	snop  }
0x5: {  	_ = 	snop  }
0x6: {  	_ = 	snop  }
0x7: {  	_ = 	snop  }
__scs_overlays_trampoline_lowered:
0x8: {  	[smem:$0x3FAE] =	sst s0  }
0x9: {  	[smem:$0x3FAF] =	sst s1  }
0xa: {  	[smem:$0x3FB0] =	sst s2  }
0xb: {  	[smem:$0x3FB1] =	sst s3  }
0xc: {  	[smem:$0x3FB2] =	sst s4  }
0xd: {  	[smem:$0x3FB3] =	sst s5  }
0xe: {  	[smem:$0x3FB4] =	sst s6  }
0xf: {  	[smem:$0x3FB5] =	sst s7  }
0x10: {  	[smem:$0x3FB6] =	sst s8  }
0x11: {  	[smem:$0x3FB7] =	sst s9;
	s0 =	simm.s32 @!p0 $0x0  }
0x12: {  	s1 =	sld [smem:$0x3F9D];
	s0 =	simm.s32 @p0 $0x1  }
0x13: {  	[smem:$0x3FB8] =	sst s0;
	s0 =	simm.s32 @!p1 $0x0  }
0x14: {  	s2 =	sld [smem:$0x3F9C];
	s0 =	simm.s32 @p1 $0x1  }
0x15: {  	[smem:$0x3FB9] =	sst s0;
	s0 =	simm.s32 @!p2 $0x0  }
0x16: {  	s3 =	sld [smem:$0x3FDB];
	s0 =	simm.s32 @p2 $0x1  }
0x17: {  	s4 =	simm.s32 $0x1BF5;
	[smem:$0x3FBB] =	sst s0  }
0x18: {  	s0 =	sld [smem:$0x3F9E];
	_ =	swait.ge [sflag:s4], $0x0  }
0x19: {  	s7 =	sld [smem:$0x3F9F]  }
0x1a: {  	s8 =	sadd.s32 $0xFFFFE003, lr  }
0x1b: {  	s9 =	sadd.s32 $0xFFFFFEF7, lr;
	s5 =	simm.s32 $0xFFFFFFFF;
	p2 =	slt.u32 s8, $0xFFFFF086  }
0x1c: {  	p1 =	slt.u32 s9, $0xF7A;
	s5 =	simm.s32 @!p2 $0x0  }
0x1d: {  	s5 =	simm.s32 @p1 $0x1;
	p0 =	seq.s32 s7, s2  }
0x1e: {  	s7 =	smul.u32 @!p0 $0xF7A, s2;
	p2 =	seq.s32 @!p0 s5, $0x0  }
0x1f: {  	s9 =	smul.u32 $0xF7A, s1;
	s8 =	simm.s32 @!p0 $0x1BF5;
	p2 =	por !p2, p0  }
0x20: {  	[sflag:s8] =	ssyncset.s32 @!p0 $0xFFFFF086;
	s6 =	sadd.s32 @!p0 s3, s7;
	s7 =	simm.s32 @!p0 $0x108  }
0x21: {  	s3 =	sadd.s32 s3, s9;
	s6 =	sadd.s32 @!p0 $0x88, s6;
	s7 =	simm.s32 @p2 $0x1082  }
0x22: {  	[simem:s7], [sflag:s8] =	dma.local @!p0 [hbm:s6], $0xF7A  }
0x23: {  	s9 =	sor.u32 $0xD0000000, s2;
	s6 =	simm.s32 $0x108;
	_ =	swait.ge @!p0 [sflag:s8], $0x0  }
0x24: {  	s3 =	sadd.s32 $0x88, s3;
	s6 =	simm.s32 @!p1 $0x1082;
	[sflag:s4] =	ssyncset.s32 $0xFFFFF086  }
0x25: {  	[simem:s6], [sflag:s4] =	dma.local [hbm:s3], $0xF7A  }
0x26: {  	[smem:$0x3F9F] =	sst s1;
	(tag) =	ssettag s2;
	_ =	strace s9  }
0x27: {  	s1 =	sld [smem:$0x3FAF]  }
0x28: {  	s2 =	sld [smem:$0x3FB0]  }
0x29: {  	s4 =	sld [smem:$0x3FB2]  }
0x2a: {  	p0 =	seq.s32 s5, $0x0;
	s5 =	sld [smem:$0x3FB3]  }
0x2b: {  	s6 =	sld [smem:$0x3FB4]  }
0x2c: {  	s7 =	sld [smem:$0x3FB5]  }
0x2d: {  	s3 =	simm.s32 $0x108;
	s8 =	sld [smem:$0x3FB6]  }
0x2e: {  	s3 =	simm.s32 @!p0 $0x1082;
	s9 =	sld [smem:$0x3FB7]  }
0x2f: {  	lr =	sadd.s32 s0, s3;
	s0 =	sld [smem:$0x3FAE]  }
0x30: {  	s3 =	sld [smem:$0x3FB1]  }
0x31: {  	[smem:$0x3FBA] =	sst s10  }
0x32: {  	s10 =	sld [smem:$0x3FB8];
	_ =	sdelay $0x3  }
0x33: {  	p0 =	seq.s32 s10, $0x1;
	s10 =	sld [smem:$0x3FBA];
	_ =	sdelay $0x3  }
0x34: {  	[smem:$0x3FBA] =	sst s10  }
0x35: {  	s10 =	sld [smem:$0x3FB9];
	_ =	sdelay $0x3  }
0x36: {  	p1 =	seq.s32 s10, $0x1;
	s10 =	sld [smem:$0x3FBA];
	_ =	sdelay $0x3  }
0x37: {  	[smem:$0x3FBA] =	sst s10  }
0x38: {  	s10 =	sld [smem:$0x3FBB]  }
0x39: {  	_ = 	snop;
	(pc) =	sbr.ind lr, $3  }
0x3a: {  	_ = 	snop  }
0x3b: {  	_ = 	snop  }
0x3c: {  	p2 =	seq.s32 s10, $0x1;
	s10 =	sld [smem:$0x3FBA]  }
0x3d: {  	_ =	shalt  }
0x3e: {  	_ =	shalt  }
0x3f: {  	_ =	shalt  }
0x40: {  	_ =	shalt  }
0x41: {  	_ =	shalt  }
0x42: {  	_ =	shalt  }
0x43: {  	_ =	shalt  }
0x44: {  	_ =	shalt  }
0x45: {  	_ =	shalt  }
0x46: {  	_ =	shalt  }
0x47: {  	_ =	shalt  }
0x48: {  	_ =	shalt  }
0x49: {  	_ =	shalt  }
0x4a: {  	_ =	shalt  }
0x4b: {  	_ =	shalt  }
0x4c: {  	_ =	shalt  }
0x4d: {  	_ =	shalt  }
0x4e: {  	_ =	shalt  }
0x4f: {  	_ =	shalt  }
0x50: {  	_ =	shalt  }
0x51: {  	_ =	shalt  }
0x52: {  	_ =	shalt  }
0x53: {  	_ =	shalt  }
0x54: {  	_ =	shalt  }
0x55: {  	_ =	shalt  }
0x56: {  	_ =	shalt  }
0x57: {  	_ =	shalt  }
0x58: {  	_ =	shalt  }
0x59: {  	_ =	shalt  }
0x5a: {  	_ =	shalt  }
0x5b: {  	_ =	shalt  }
0x5c: {  	_ =	shalt  }
0x5d: {  	_ =	shalt  }
0x5e: {  	_ =	shalt  }
0x5f: {  	_ =	shalt  }
0x60: {  	_ =	shalt  }
0x61: {  	_ =	shalt  }
0x62: {  	_ =	shalt  }
0x63: {  	_ =	shalt  }
0x64: {  	_ =	shalt  }
0x65: {  	_ =	shalt  }
0x66: {  	_ =	shalt  }
0x67: {  	_ =	shalt  }
0x68: {  	_ =	shalt  }
0x69: {  	_ =	shalt  }
0x6a: {  	_ =	shalt  }
0x6b: {  	_ =	shalt  }
0x6c: {  	_ =	shalt  }
0x6d: {  	_ =	shalt  }
0x6e: {  	_ =	shalt  }
0x6f: {  	_ =	shalt  }
0x70: {  	_ =	shalt  }
0x71: {  	_ =	shalt  }
0x72: {  	_ =	shalt  }
0x73: {  	_ =	shalt  }
0x74: {  	_ =	shalt  }
0x75: {  	_ =	shalt  }
0x76: {  	_ =	shalt  }
0x77: {  	_ =	shalt  }
0x78: {  	_ =	shalt  }
0x79: {  	_ =	shalt  }
0x7a: {  	_ =	shalt  }
0x7b: {  	_ =	shalt  }
0x7c: {  	_ =	shalt  }
0x7d: {  	_ =	shalt  }
0x7e: {  	_ =	shalt  }
0x7f: {  	_ =	shalt  }
0x80: {  	_ =	shalt  }
0x81: {  	_ =	shalt  }
0x82: {  	_ =	shalt  }
0x83: {  	_ =	shalt  }
0x84: {  	_ =	shalt  }
0x85: {  	_ =	shalt  }
0x86: {  	_ =	shalt  }
0x87: {  	_ =	shalt  }
.Lfunc_end0:
.L_simem_size_0:
called_computation.1_lowered:
.L_overlay_start_0:
0x88: {  	s2 =	sld [smem:$0x3FD9]  }
0x89: {  	s3 =	sld [smem:$0x3FFE];
	_ =	sdelay $0x1  }
0x8a: {  	s1 =	srdreg.scid  }
0x8b: {  	s0 =	sand.u32 $0x1, s1  }
0x8c: {  	s14 =	sshll.u32 s0, $0xA;
	s2 =	sadd.s32 s3, s2  }
0x8d: {  	s2 =	sadd.s32 s2, s14  }
0x8e: {  	[smem:$0x3FC6] =	sst s2  }
0x8f: {  	_ = 	snop  }
0x90: {  	s2 =	sld [smem:$0x3FD0];
	_ =	sdelay $0x2  }
0x91: {  	s15 =	simm.s32 $0xA;
	s4 =	simm.s32 $0x10  }
0x92: {  	[smem:s4], [sflag:s15] =	dma.local [hbm:s2], $0x1  }
0x93: {  	_ =	swait.eq [sflag:s15], $0x1  }
0x94: {  	[sflag:s15] =	ssyncset.done $0x0  }
0x95: {  	[sflag:s15] =	ssyncadd.s32 $0xFFFFFFFF  }
0x96: {  	s16 =	sld [smem:$0x12];
	(tm) =	ssettm $0x1  }
0x97: {  	s17 =	sld [smem:$0x3FFB];
	_ =	sdelay $0x3  }
0x98: {  	_ =	strace s17  }
0x99: {  	s3 =	sld [smem:$0x3FFC];
	_ =	sdelay $0x3  }
0x9a: {  	_ =	strace s3  }
0x9b: {  	s3 =	sld [smem:$0x3FFD];
	_ =	sdelay $0x3  }
0x9c: {  	_ =	strace s3  }
0x9d: {  	_ =	strace $0x8FFFFFFF  }
0x9e: {  	s18 =	sld [smem:$0x3FDB];
	_ =	sdelay $0x1  }
0x9f: {  	s19 =	simm.s32 $_scs_section_size  }
0xa0: {  	s5 =	simm.s32 $_size__tile_overlayer_lowered;
	s6 =	simm.s32 $_tile_overlayer_lowered  }
0xa1: {  	s22 =	simm.s32 $0x1BFF;
	s21 =	sshll.u32 s6, $0x1;
	s3 =	sadd.s32 s19, s18  }
0xa2: {  	s7 =	simm.s32 $0x0;
	s20 =	sshll.u32 s5, $0x1;
	s5 =	sadd.s32 s21, s3  }
0xa3: {  	[timem:s7], [sflag:s22] =	dma.local [hbm:s5], s20  }
0xa4: {  	_ =	swait.ge [sflag:s22], s20  }
0xa5: {  	s4 =	ssub.s32 $0x0, s20;
	[sflag:s22] =	ssyncset.done $0x0  }
0xa6: {  	[sflag:s22] =	ssyncadd.s32 s4;
	_ =	sdelay $0x1  }
0xa7: {  	s23 =	simm.s32 $0x1B8B  }
0xa8: {  	_ =	swait.ge [sflag:s23], $0x1  }
0xa9: {  	[sflag:s23] =	ssyncset.done $0x0  }
0xaa: {  	s25 =	simm.s32 $0x1B8E;
	s24 =	sld [smem:$0x3FFE];
	[sflag:s23] =	ssyncadd.s32 $0xFFFFFFFF  }
0xab: {  	s26 =	simm.s32 $execute0_lowered;
	[smem:$0x3FD2] =	sst s25  }
0xac: {  	s5 =	sshll.u32 s26, $0x1;
	_ =	strace $0x80000049;
	[dreg:$0x1] =	wrdreg $0xFFFFFFFF  }
0xad: {  	s28 =	simm.s32 $_size_execute0_lowered;
	s3 =	sadd.s32 s3, s5;
	[dreg:$0x0] =	wrdreg $0x0  }
0xae: {  	s5 =	sshll.u32 s28, $0x1;
	[dreg:$0x2] =	wrdreg s3  }
0xaf: {  	[dreg:$0x3] =	wrdreg s5  }
0xb0: {  	[dreg:$0x4] =	wrdreg $0xC0  }
0xb1: {  	_ =	task [dreg:s7], $0x5FFFF  }
0xb2: {  	[dreg:$0x1] =	wrdreg $0xFFFFFFFF  }
0xb3: {  	[dreg:$0x0] =	wrdreg $0x60  }
0xb4: {  	[dreg:$0x2] =	wrdreg s24  }
0xb5: {  	[dreg:$0x3] =	wrdreg s16  }
0xb6: {  	[dreg:$0x4] =	wrdreg $0x9  }
0xb7: {  	_ =	task.clear_ibuf [dreg:s7], $0x5FFFF;
	_ =	strace $0x90000049  }
0xb8: {  	s29 =	simm.s32 $0x9;
	_ =	strace $0x8000004B  }
0xb9: {  	_ =	swait.ge [sflag:s29], $0x1  }
0xba: {  	[sflag:s29] =	ssyncadd.s32 $0xFFFFFFFF  }
0xbb: {  	_ =	strace $0x9000004B  }
0xbc: {  	_ =	sfence  }
0xbd: {  	s30 =	sld [smem:$0x0];
	_ =	sdelay $0x2  }
0xbe: {  	s31 =	sshll.u32 s1, $0xD;
	s1 =	sshrl.u32 s1, $0x2  }
0xbf: {  	s3 =	sand.u32 $0x4000, s31;
	s1 =	sadd.s32 s1, s30  }
0xc0: {  	s0 =	sor.u32 s3, s0;
	s1 =	sshll.u32 s1, $0x11  }
0xc1: {  	s0 =	sor.u32 s1, s0  }
0xc2: {  	s0 =	sadd.s32 $0x8F2B, s0  }
0xc3: {  	[sflag:s0] =	ssyncadd.remote.s32 $0x1  }
0xc4: {  	_ =	sfence.sel $0xFFFF  }
0xc5: {  	[dreg:$0x0] =	wrdreg $0xFFFFFFFF;
	(pc) =	sbr.abs _section_cstart, $3  }
0xc6: {  	[dreg:$0x1] =	wrdreg $0xFFFFFFFF  }
0xc7: {  	_ =	task.clear_ibuf [dreg:s7], $0x2FFFF;
	_ =	strace $0x9FFFFFFF  }
0xc8: {  	(tm) =	ssettm $0x7FFFFFFF  }
0xc9: {  	_ =	shalt  }
tec
execute0_lowered:
.L_overlay_start_1:
0x0: {  	(tag) =	ssettag $0x1  }
0x1: {  	v0 =	vimm.s32 $0x2380;
	vm0 =	vcmask $0x300  }
0x2: {  	vm14 =	vcmask $0x704;
	v0 =	vsel vm0, $0x0, v0  }
0x3: {  	vm15 =	vcmask $0xB08;
	v0 =	vsel vm14, $0x80, v0  }
0x4: {  	s4 =	rddreg [dreg:$0x0];
	vm4 =	vcmask $0xF0C;
	v0 =	vsel vm15, $0x100, v0  }
0x5: {  	s1 =	rddreg [dreg:$0x1];
	vm5 =	vcmask $0x1310;
	v0 =	vsel vm4, $0x180, v0  }
0x6: {  	s0 =	rddreg [dreg:$0x2];
	vm6 =	vcmask $0x1714;
	v0 =	vsel vm5, $0x200, v0  }
0x7: {  	s5 =	srdreg.scid;
	s2 =	stileid.u32;
	vm7 =	vcmask $0x1B18;
	v0 =	vsel vm6, $0x280, v0  }
0x8: {  	s3 =	simm.s32 $0x0;
	vm8 =	vcmask $0x1F1C;
	s11 =	simm.s32 $0x4000;
	s12 =	simm.s32 $0x3;
	v0 =	vsel vm7, $0x300, v0  }
0x9: {  	vm9 =	vcmask $0x2320;
	s13 =	simm.s32 $0x1;
	s14 =	simm.s32 $0x4080;
	s15 =	simm.s32 $0x2;
	v0 =	vsel vm8, $0x380, v0  }
0xa: {  	vm10 =	vcmask $0x2724;
	s5 =	sand.u32 $0x1, s5;
	s6 =	sshll.u32 s2, $0x1;
	[smem:$0x7FF] =	sst s3;
	v0 =	vsel vm9, $0x2000, v0  }
0xb: {  	vm11 =	vcmask $0x2B28;
	s16 =	simm.s32 $0x0;
	s6 =	sor.u32 s5, s6;
	_ =	strace $0x8000004A;
	v0 =	vsel vm10, $0x2080, v0  }
.Ltmp0:
0xc: {  	vm12 =	vcmask $0x2F2C;
	s5 =	ssub.s32 $0x2, s5;
	s7 =	sshll.u32 s6, $0xE;
	v0 =	vsel vm11, $0x2100, v0;
	(pc) =	sbr.rel .LBB2_1-.Ltmp0, $4  }
0xd: {  	vm13 =	vcmask $0x3330;
	s6 =	sshll.u32 s6, $0xB;
	s8 =	sshrl.u32 s5, $0x1;
	s7 =	sadd.s32 s7, s4;
	v0 =	vsel vm12, $0x2180, v0  }
0xe: {  	vm14 =	vcmask $0x3734;
	s9 =	sadd.s32 s6, s4;
	s10 =	ssub.s32 s5, s8;
	s4 =	sadd.s32 $0x22600, s7;
	v0 =	vsel vm13, $0x2200, v0  }
0xf: {  	vm15 =	vcmask $0x3B38;
	s5 =	sadd.s32 $0x22A00, s7;
	s6 =	sadd.s32 $0x22E00, s7;
	s7 =	sadd.s32 $0x23200, s7;
	v1 =	vsel vm14, $0x2280, v0  }
0x10: {  	v2 =	vimm.s32 $0x1;
	s8 =	sadd.s32 $0x2600, s9;
	s9 =	smax.u32 s10, $0x1;
	s10 =	simm.s32 $0x2000;
	v0 =	vimm.s32 $0x0;
	v1 =	vsel vm15, $0x2300, v1  }
.LBB2_10:
0x11: {  	s16 =	sadd.s32 $0x1, s16  }
0x12: {  	p0 =	sne.s32 s16, s9  }
.Ltmp1:
0x13: {  	_ = 	snop;
	(pc) =	sbr.rel @!p0 .LBB2_11-.Ltmp1, $4  }
0x14: {  	[hbm4b:s8+s3] =	stream.linear.scatter [tilespmem:s14], [sflag:$0x3], $0x4000, $0x38;
	[tilespmem:$0x8080] =	vst v63  }
0x15: {  	_ =	swait.ge [sflag:s12], $0x4000  }
0x16: {  	[sflag:s12] =	ssyncset.done $0x0  }
0x17: {  	[sflag:s12] =	ssyncadd.s32 $0xFFFFC000  }
.LBB2_1:
0x18: {  	[tilespmem:s3], [sflag:$0x1] =	stream.linear.gather [hbm4b:s4+s3], $0x2000, $0x38;
	[tilespmem:$0x8080] =	vst v63  }
0x19: {  	s17 =	simm.s32 $0x0  }
0x1a: {  	s18 =	sand.u32 $0x1C00, s3;
	s19 =	simm.s32 $0x0;
	s17 =	sand.u32 $0x2000, s17  }
0x1b: {  	[tilespmem:s10], [sflag:$0x2] =	stream.linear.gather [hbm4b:s5+s3], $0x2000, $0x38;
	[tilespmem:$0x8080] =	vst v63  }
0x1c: {  	s19 =	sand.u32 $0x380, s19;
	s17 =	sor.u32 s18, s17  }
0x1d: {  	s17 =	sor.u32 s17, s19  }
0x1e: {  	[tilespmem:s17+$0x40F0] =	vst v0  }
0x1f: {  	[tilespmem:s17+$0x4080] =	vst v0  }
0x20: {  	s18 =	simm.s32 $0x0;
	s19 =	simm.s32 $0x0;
	[tilespmem:s17+$0x4090] =	vst v0  }
.LBB2_2:
0x21: {  	s18 =	sadd.s32 $0x8, s18;
	[tilespmem:s17+$0x40A0] =	vst v0  }
0x22: {  	s19 =	sadd.s32 $0x400, s19;
	s20 =	sshll.u32 s18, $0x4;
	p0 =	slt.u32 s18, $0x3F8;
	[tilespmem:s17+$0x40B0] =	vst v0  }
0x23: {  	s21 =	sand.u32 $0x1C00, s19;
	s22 =	sshll.u32 s18, $0x1;
	s20 =	sand.u32 $0x2000, s20;
	[tilespmem:s17+$0x40C0] =	vst v0  }
.Ltmp2:
0x24: {  	s22 =	sand.u32 $0x380, s22;
	s20 =	sor.u32 s21, s20;
	[tilespmem:s17+$0x40D0] =	vst v0;
	(pc) =	sbr.rel @p0 .LBB2_2-.Ltmp2, $4  }
0x25: {  	[tilespmem:s17+$0x40E0] =	vst v0;
	s17 =	sor.u32 s20, s22  }
0x26: {  	[tilespmem:s17+$0x40F0] =	vst v0  }
0x27: {  	[tilespmem:s17+$0x4080] =	vst v0  }
0x28: {  	[tilespmem:s17+$0x4090] =	vst v0  }
0x29: {  	[tilespmem:s17+$0x40A0] =	vst v0  }
0x2a: {  	[tilespmem:s17+$0x40B0] =	vst v0  }
0x2b: {  	[tilespmem:s17+$0x40C0] =	vst v0  }
0x2c: {  	[tilespmem:s17+$0x40D0] =	vst v0  }
0x2d: {  	[tilespmem:s17+$0x40E0] =	vst v0;
	s17 =	simm.s32 $0x0  }
0x2e: {  	[tilespmem:s11], [sflag:$0x3] =	stream.linear.gather [hbm4b:s1+s17], $0x10, $0x38;
	[tilespmem:$0x8080] =	vst v63  }
0x2f: {  	_ =	swait.ge [sflag:s12], $0x10  }
0x30: {  	[sflag:s12] =	ssyncset.done $0x0  }
0x31: {  	[sflag:s12] =	ssyncadd.s32 $0xFFFFFFF0  }
0x32: {  	s18 =	simm.s32 $0x0;
	v3 =	vld [tilespmem:$0x4000]  }
.LBB2_4:
0x33: {  	_ =	swait.ge [sflag:s13], $0x2000;
	s19 =	simm.s32 $0x0  }
0x34: {  	s20 =	sand.u32 $0xC00, s17;
	s21 =	simm.s32 $0x0;
	s19 =	sand.u32 $0x1000, s19  }
0x35: {  	[sflag:s13] =	ssyncset.done $0x0;
	s21 =	sand.u32 $0x380, s21;
	s19 =	sor.u32 s20, s19  }
0x36: {  	[sflag:s13] =	ssyncadd.s32 $0xFFFFE000;
	s19 =	sor.u32 s21, s19  }
0x37: {  	v4 =	vld [tilespmem:s19+$0x70]  }
0x38: {  	v5 =	vld [tilespmem:s19+$0x0]  }
0x39: {  	v8 =	vld [tilespmem:s19+$0x10]  }
0x3a: {  	v11 =	vld [tilespmem:s19+$0x20]  }
0x3b: {  	v13 =	vld [tilespmem:s19+$0x30]  }
0x3c: {  	v14 =	vld [tilespmem:s19+$0x40]  }
0x3d: {  	v17 =	vld [tilespmem:s19+$0x50]  }
0x3e: {  	v6 =	vshrl.u32 v4, $0x13;
	v7 =	vshrl.u32 v4, $0x9;
	v4 =	vshrl.u32 v4, $0x6  }
0x3f: {  	v9 =	vshrl.u32 v5, $0x9;
	v10 =	vshrl.u32 v5, $0x6;
	v12 =	vshrl.u32 v8, $0x9  }
0x40: {  	v15 =	vshrl.u32 v8, $0x6;
	v16 =	vshrl.u32 v11, $0x9;
	v20 =	vshrl.u32 v11, $0x6  }
0x41: {  	v21 =	vshrl.u32 v13, $0x9;
	v22 =	vshrl.u32 v13, $0x6;
	v24 =	vshrl.u32 v14, $0x9  }
0x42: {  	v18 =	vld [tilespmem:s19+$0x60];
	v25 =	vshrl.u32 v14, $0x6;
	v26 =	vshrl.u32 v17, $0x9;
	v27 =	vshrl.u32 v17, $0x6  }
0x43: {  	v5 =	vshrl.u32 v5, $0x13;
	v6 =	vand.u32 $0xFFF, v6;
	v7 =	vand.u32 $0x7F, v7  }
0x44: {  	v4 =	vand.u32 $0x1C00, v4;
	v12 =	vand.u32 $0x7F, v12;
	v19 =	vand.u32 $0x1C00, v15  }
0x45: {  	v15 =	vand.u32 $0x1C00, v20;
	vm0 =	veq.s32 v6, v3;
	v4 =	vor.u32 v7, v4  }
0x46: {  	v20 =	vand.u32 $0x1C00, v22;
	v22 =	vand.u32 $0x7F, v24;
	v23 =	vor.u32 v1, v4  }
0x47: {  	v24 =	vand.u32 $0x1C00, v25;
	v6 =	vshrl.u32 v18, $0x9;
	v7 =	vshrl.u32 v18, $0x6  }
0x48: {  	v18 =	vshrl.u32 v18, $0x13;
	v4 =	vand.u32 $0x7F, v9;
	v9 =	vand.u32 $0x1C00, v10  }
0x49: {  	v10 =	vshrl.u32 v8, $0x13;
	v8 =	vshrl.u32 v11, $0x13;
	v11 =	vand.u32 $0x7F, v16  }
0x4a: {  	v16 =	vshrl.u32 v13, $0x13;
	v13 =	vand.u32 $0x7F, v21;
	v21 =	vshrl.u32 v14, $0x13  }
0x4b: {  	s20 =	simm.s32 $0x0;
	s19 =	simm.s32 $0x0;
	v14 =	vshrl.u32 v17, $0x13;
	v17 =	vand.u32 $0x7F, v26;
	[tilespmem:v23+s14+$0x0] =	vst.idx.add.s32.msk vm0, v2;
	v23 =	vand.u32 $0x1C00, v27  }
.LBB2_5:
0x4c: {  	s19 =	sadd.s32 $0x8, s19;
	v5 =	vand.u32 $0xFFF, v5;
	v6 =	vand.u32 $0x7F, v6;
	v7 =	vand.u32 $0x1C00, v7  }
0x4d: {  	v4 =	vor.u32 v4, v9;
	v9 =	vand.u32 $0xFFF, v10;
	v10 =	vor.u32 v12, v19;
	s20 =	sadd.s32 $0x400, s20;
	s21 =	sshll.u32 s19, $0x4;
	p0 =	slt.u32 s19, $0x1F8  }
0x4e: {  	v8 =	vand.u32 $0xFFF, v8;
	v11 =	vor.u32 v11, v15;
	v12 =	vand.u32 $0xFFF, v16;
	s22 =	sand.u32 $0xC00, s20;
	s23 =	sshll.u32 s19, $0x2;
	s21 =	sand.u32 $0x1000, s21  }
0x4f: {  	v13 =	vor.u32 v13, v20;
	v15 =	vand.u32 $0xFFF, v21;
	v16 =	vor.u32 v22, v24;
	s23 =	sand.u32 $0x380, s23;
	s21 =	sor.u32 s22, s21  }
0x50: {  	v14 =	vand.u32 $0xFFF, v14;
	v17 =	vor.u32 v17, v23;
	v18 =	vand.u32 $0xFFF, v18;
	s21 =	sor.u32 s23, s21  }
0x51: {  	vm5 =	veq.s32 v5, v3;
	v4 =	vor.u32 v1, v4;
	v5 =	vor.u32 v6, v7;
	v19 =	vld [tilespmem:s21+$0x70]  }
0x52: {  	vm6 =	veq.s32 v9, v3;
	v7 =	vor.u32 v1, v10;
	vm4 =	veq.s32 v8, v3;
	v6 =	vld [tilespmem:s21+$0x0]  }
0x53: {  	v9 =	vor.u32 v1, v11;
	vm3 =	veq.s32 v12, v3;
	v10 =	vor.u32 v1, v13;
	v8 =	vld [tilespmem:s21+$0x10]  }
0x54: {  	vm2 =	veq.s32 v15, v3;
	v12 =	vor.u32 v1, v16;
	vm1 =	veq.s32 v14, v3;
	v11 =	vld [tilespmem:s21+$0x20]  }
0x55: {  	v14 =	vor.u32 v1, v17;
	vm0 =	veq.s32 v18, v3;
	v17 =	vor.u32 v1, v5;
	v13 =	vld [tilespmem:s21+$0x30]  }
0x56: {  	v18 =	vld [tilespmem:s21+$0x40];
	v5 =	vshrl.u32 v19, $0x13;
	v15 =	vshrl.u32 v19, $0x9;
	v16 =	vshrl.u32 v19, $0x6  }
0x57: {  	v23 =	vld [tilespmem:s21+$0x50];
	v5 =	vand.u32 $0xFFF, v5;
	v15 =	vand.u32 $0x7F, v15;
	v16 =	vand.u32 $0x1C00, v16  }
0x58: {  	v19 =	vshrl.u32 v6, $0x9;
	v25 =	vld [tilespmem:s21+$0x60];
	vm7 =	veq.s32 v5, v3;
	v5 =	vor.u32 v15, v16  }
0x59: {  	v15 =	vshrl.u32 v6, $0x6;
	v16 =	vshrl.u32 v8, $0x9;
	v20 =	vor.u32 v1, v5;
	[tilespmem:v4+s14+$0x0] =	vst.idx.add.s32.msk vm5, v2  }
0x5a: {  	v21 =	vshrl.u32 v8, $0x6;
	v22 =	vshrl.u32 v11, $0x9;
	v24 =	vshrl.u32 v11, $0x6;
	[tilespmem:v7+s14+$0x0] =	vst.idx.add.s32.msk vm6, v2  }
0x5b: {  	v26 =	vshrl.u32 v13, $0x9;
	v27 =	vshrl.u32 v13, $0x6;
	v28 =	vshrl.u32 v18, $0x9;
	[tilespmem:v9+s14+$0x0] =	vst.idx.add.s32.msk vm4, v2  }
0x5c: {  	v29 =	vshrl.u32 v18, $0x6;
	v30 =	vshrl.u32 v23, $0x9;
	v31 =	vshrl.u32 v23, $0x6;
	[tilespmem:v10+s14+$0x0] =	vst.idx.add.s32.msk vm3, v2  }
0x5d: {  	v5 =	vshrl.u32 v6, $0x13;
	v6 =	vshrl.u32 v25, $0x9;
	v7 =	vshrl.u32 v25, $0x6;
	[tilespmem:v12+s14+$0x0] =	vst.idx.add.s32.msk vm2, v2  }
0x5e: {  	v4 =	vand.u32 $0x7F, v19;
	v9 =	vand.u32 $0x1C00, v15;
	v10 =	vshrl.u32 v8, $0x13;
	[tilespmem:v20+s14+$0x0] =	vst.idx.add.s32.msk vm7, v2  }
.Ltmp3:
0x5f: {  	v19 =	vand.u32 $0x1C00, v21;
	v8 =	vshrl.u32 v11, $0x13;
	v12 =	vand.u32 $0x7F, v16;
	[tilespmem:v14+s14+$0x0] =	vst.idx.add.s32.msk vm1, v2;
	(pc) =	sbr.rel @p0 .LBB2_5-.Ltmp3, $4  }
0x60: {  	v15 =	vand.u32 $0x1C00, v24;
	v11 =	vand.u32 $0x7F, v22;
	v16 =	vshrl.u32 v13, $0x13;
	[tilespmem:v17+s14+$0x0] =	vst.idx.add.s32.msk vm0, v2  }
0x61: {  	v21 =	vshrl.u32 v18, $0x13;
	v13 =	vand.u32 $0x7F, v26;
	v20 =	vand.u32 $0x1C00, v27  }
0x62: {  	v22 =	vand.u32 $0x7F, v28;
	v24 =	vand.u32 $0x1C00, v29;
	v14 =	vshrl.u32 v23, $0x13  }
0x63: {  	v18 =	vshrl.u32 v25, $0x13;
	v23 =	vand.u32 $0x1C00, v31;
	v17 =	vand.u32 $0x7F, v30  }
0x64: {  	v5 =	vand.u32 $0xFFF, v5;
	v6 =	vand.u32 $0x7F, v6;
	v7 =	vand.u32 $0x1C00, v7  }
0x65: {  	v4 =	vor.u32 v4, v9;
	v9 =	vand.u32 $0xFFF, v10;
	v10 =	vor.u32 v12, v19  }
0x66: {  	v8 =	vand.u32 $0xFFF, v8;
	v11 =	vor.u32 v11, v15;
	v12 =	vand.u32 $0xFFF, v16  }
0x67: {  	v13 =	vor.u32 v13, v20;
	v15 =	vand.u32 $0xFFF, v21;
	vm0 =	veq.s32 v5, v3  }
0x68: {  	v5 =	vor.u32 v22, v24;
	v4 =	vor.u32 v1, v4;
	vm1 =	veq.s32 v9, v3  }
0x69: {  	v9 =	vand.u32 $0xFFF, v14;
	v10 =	vor.u32 v1, v10;
	vm2 =	veq.s32 v8, v3  }
0x6a: {  	v8 =	vor.u32 v17, v23;
	v11 =	vor.u32 v1, v11;
	vm3 =	veq.s32 v12, v3  }
0x6b: {  	v12 =	vand.u32 $0xFFF, v18;
	v13 =	vor.u32 v1, v13;
	vm4 =	veq.s32 v15, v3  }
0x6c: {  	v6 =	vor.u32 v6, v7;
	v5 =	vor.u32 v1, v5;
	vm5 =	veq.s32 v9, v3  }
0x6d: {  	v7 =	vor.u32 v1, v8;
	vm6 =	veq.s32 v12, v3;
	[tilespmem:v4+s14+$0x0] =	vst.idx.add.s32.msk vm0, v2  }
0x6e: {  	v4 =	vor.u32 v1, v6;
	[tilespmem:v10+s14+$0x0] =	vst.idx.add.s32.msk vm1, v2  }
0x6f: {  	[tilespmem:v11+s14+$0x0] =	vst.idx.add.s32.msk vm2, v2  }
0x70: {  	[tilespmem:v13+s14+$0x0] =	vst.idx.add.s32.msk vm3, v2  }
0x71: {  	[tilespmem:v5+s14+$0x0] =	vst.idx.add.s32.msk vm4, v2  }
0x72: {  	s19 =	sshll.u32 s18, $0xB;
	p0 =	seq.s32 s18, $0x7;
	[tilespmem:v7+s14+$0x0] =	vst.idx.add.s32.msk vm5, v2  }
0x73: {  	s20 =	sadd.s32 @!p0 s19, s6;
	s21 =	simm.s32 @!p0 $0x0;
	[tilespmem:v4+s14+$0x0] =	vst.idx.add.s32.msk vm6, v2  }
0x74: {  	[tilespmem:s21], [sflag:$0x1] =	stream.linear.gather @!p0 [hbm4b:s20+s21], $0x2000, $0x38;
	[tilespmem:$0x8080] =	vst v63  }
0x75: {  	s31 =	simm.s32 $0x0;
	s23 =	simm.s32 $0x0;
	s20 =	simm.s32 $0x0  }
0x76: {  	s21 =	sand.u32 $0x1000, s31;
	_ =	swait.ge [sflag:s15], $0x2000;
	s22 =	sand.u32 $0xC00, s20  }
0x77: {  	s23 =	sand.u32 $0x380, s23;
	[sflag:s15] =	ssyncset.done $0x0;
	s21 =	sor.u32 s22, s21  }
0x78: {  	[sflag:s15] =	ssyncadd.s32 $0xFFFFE000;
	s21 =	sor.u32 s23, s21  }
0x79: {  	v4 =	vld [tilespmem:s21+$0x2070]  }
0x7a: {  	v5 =	vld [tilespmem:s21+$0x2000]  }
0x7b: {  	v8 =	vld [tilespmem:s21+$0x2010]  }
0x7c: {  	v11 =	vld [tilespmem:s21+$0x2020]  }
0x7d: {  	v13 =	vld [tilespmem:s21+$0x2030]  }
0x7e: {  	v14 =	vld [tilespmem:s21+$0x2040]  }
0x7f: {  	v17 =	vld [tilespmem:s21+$0x2050]  }
0x80: {  	v6 =	vshrl.u32 v4, $0x13;
	v7 =	vshrl.u32 v4, $0x9;
	v4 =	vshrl.u32 v4, $0x6  }
0x81: {  	v9 =	vshrl.u32 v5, $0x9;
	v10 =	vshrl.u32 v5, $0x6;
	v12 =	vshrl.u32 v8, $0x9  }
0x82: {  	v15 =	vshrl.u32 v8, $0x6;
	v16 =	vshrl.u32 v11, $0x9;
	v20 =	vshrl.u32 v11, $0x6  }
0x83: {  	v21 =	vshrl.u32 v13, $0x9;
	v22 =	vshrl.u32 v13, $0x6;
	v24 =	vshrl.u32 v14, $0x9  }
0x84: {  	v18 =	vld [tilespmem:s21+$0x2060];
	v25 =	vshrl.u32 v14, $0x6;
	v26 =	vshrl.u32 v17, $0x9;
	v27 =	vshrl.u32 v17, $0x6  }
0x85: {  	v5 =	vshrl.u32 v5, $0x13;
	v6 =	vand.u32 $0xFFF, v6;
	v7 =	vand.u32 $0x7F, v7  }
0x86: {  	v4 =	vand.u32 $0x1C00, v4;
	v12 =	vand.u32 $0x7F, v12;
	v19 =	vand.u32 $0x1C00, v15  }
0x87: {  	v15 =	vand.u32 $0x1C00, v20;
	vm15 =	veq.s32 v6, v3;
	v4 =	vor.u32 v7, v4  }
0x88: {  	v20 =	vand.u32 $0x1C00, v22;
	v22 =	vand.u32 $0x7F, v24;
	v23 =	vor.u32 v1, v4  }
0x89: {  	v24 =	vand.u32 $0x1C00, v25;
	v6 =	vshrl.u32 v18, $0x9;
	v7 =	vshrl.u32 v18, $0x6  }
0x8a: {  	v18 =	vshrl.u32 v18, $0x13;
	v4 =	vand.u32 $0x7F, v9;
	v9 =	vand.u32 $0x1C00, v10  }
0x8b: {  	v10 =	vshrl.u32 v8, $0x13;
	v8 =	vshrl.u32 v11, $0x13;
	v11 =	vand.u32 $0x7F, v16  }
0x8c: {  	v16 =	vshrl.u32 v13, $0x13;
	v13 =	vand.u32 $0x7F, v21;
	v21 =	vshrl.u32 v14, $0x13  }
0x8d: {  	s21 =	simm.s32 $0x0;
	v14 =	vshrl.u32 v17, $0x13;
	v17 =	vand.u32 $0x7F, v26;
	[tilespmem:v23+s14+$0x0] =	vst.idx.add.s32.msk vm15, v2;
	v23 =	vand.u32 $0x1C00, v27  }
.LBB2_7:
0x8e: {  	s21 =	sadd.s32 $0x8, s21;
	v5 =	vand.u32 $0xFFF, v5;
	v6 =	vand.u32 $0x7F, v6;
	v7 =	vand.u32 $0x1C00, v7  }
0x8f: {  	v4 =	vor.u32 v4, v9;
	v9 =	vand.u32 $0xFFF, v10;
	v10 =	vor.u32 v12, v19;
	s20 =	sadd.s32 $0x400, s20;
	s22 =	sshll.u32 s21, $0x4;
	p1 =	slt.u32 s21, $0x1F8  }
0x90: {  	v8 =	vand.u32 $0xFFF, v8;
	v11 =	vor.u32 v11, v15;
	v12 =	vand.u32 $0xFFF, v16;
	s23 =	sand.u32 $0xC00, s20;
	s24 =	sshll.u32 s21, $0x2;
	s22 =	sand.u32 $0x1000, s22  }
0x91: {  	v13 =	vor.u32 v13, v20;
	v15 =	vand.u32 $0xFFF, v21;
	v16 =	vor.u32 v22, v24;
	s24 =	sand.u32 $0x380, s24;
	s22 =	sor.u32 s23, s22  }
0x92: {  	v14 =	vand.u32 $0xFFF, v14;
	v17 =	vor.u32 v17, v23;
	v18 =	vand.u32 $0xFFF, v18;
	s22 =	sor.u32 s24, s22  }
0x93: {  	vm5 =	veq.s32 v5, v3;
	v4 =	vor.u32 v1, v4;
	v5 =	vor.u32 v6, v7;
	v19 =	vld [tilespmem:s22+$0x2070]  }
0x94: {  	vm6 =	veq.s32 v9, v3;
	v7 =	vor.u32 v1, v10;
	vm4 =	veq.s32 v8, v3;
	v6 =	vld [tilespmem:s22+$0x2000]  }
0x95: {  	v9 =	vor.u32 v1, v11;
	vm3 =	veq.s32 v12, v3;
	v10 =	vor.u32 v1, v13;
	v8 =	vld [tilespmem:s22+$0x2010]  }
0x96: {  	vm2 =	veq.s32 v15, v3;
	v12 =	vor.u32 v1, v16;
	vm1 =	veq.s32 v14, v3;
	v11 =	vld [tilespmem:s22+$0x2020]  }
0x97: {  	v14 =	vor.u32 v1, v17;
	vm0 =	veq.s32 v18, v3;
	v17 =	vor.u32 v1, v5;
	v13 =	vld [tilespmem:s22+$0x2030]  }
0x98: {  	v18 =	vld [tilespmem:s22+$0x2040];
	v5 =	vshrl.u32 v19, $0x13;
	v15 =	vshrl.u32 v19, $0x9;
	v16 =	vshrl.u32 v19, $0x6  }
0x99: {  	v23 =	vld [tilespmem:s22+$0x2050];
	v5 =	vand.u32 $0xFFF, v5;
	v15 =	vand.u32 $0x7F, v15;
	v16 =	vand.u32 $0x1C00, v16  }
0x9a: {  	v19 =	vshrl.u32 v6, $0x9;
	v25 =	vld [tilespmem:s22+$0x2060];
	vm7 =	veq.s32 v5, v3;
	v5 =	vor.u32 v15, v16  }
0x9b: {  	v15 =	vshrl.u32 v6, $0x6;
	v16 =	vshrl.u32 v8, $0x9;
	v20 =	vor.u32 v1, v5;
	[tilespmem:v4+s14+$0x0] =	vst.idx.add.s32.msk vm5, v2  }
0x9c: {  	v21 =	vshrl.u32 v8, $0x6;
	v22 =	vshrl.u32 v11, $0x9;
	v24 =	vshrl.u32 v11, $0x6;
	[tilespmem:v7+s14+$0x0] =	vst.idx.add.s32.msk vm6, v2  }
0x9d: {  	v26 =	vshrl.u32 v13, $0x9;
	v27 =	vshrl.u32 v13, $0x6;
	v28 =	vshrl.u32 v18, $0x9;
	[tilespmem:v9+s14+$0x0] =	vst.idx.add.s32.msk vm4, v2  }
0x9e: {  	v29 =	vshrl.u32 v18, $0x6;
	v30 =	vshrl.u32 v23, $0x9;
	v31 =	vshrl.u32 v23, $0x6;
	[tilespmem:v10+s14+$0x0] =	vst.idx.add.s32.msk vm3, v2  }
0x9f: {  	v5 =	vshrl.u32 v6, $0x13;
	v6 =	vshrl.u32 v25, $0x9;
	v7 =	vshrl.u32 v25, $0x6;
	[tilespmem:v12+s14+$0x0] =	vst.idx.add.s32.msk vm2, v2  }
0xa0: {  	v4 =	vand.u32 $0x7F, v19;
	v9 =	vand.u32 $0x1C00, v15;
	v10 =	vshrl.u32 v8, $0x13;
	[tilespmem:v20+s14+$0x0] =	vst.idx.add.s32.msk vm7, v2  }
.Ltmp4:
0xa1: {  	v19 =	vand.u32 $0x1C00, v21;
	v8 =	vshrl.u32 v11, $0x13;
	v12 =	vand.u32 $0x7F, v16;
	[tilespmem:v14+s14+$0x0] =	vst.idx.add.s32.msk vm1, v2;
	(pc) =	sbr.rel @p1 .LBB2_7-.Ltmp4, $4  }
0xa2: {  	v15 =	vand.u32 $0x1C00, v24;
	v11 =	vand.u32 $0x7F, v22;
	v16 =	vshrl.u32 v13, $0x13;
	[tilespmem:v17+s14+$0x0] =	vst.idx.add.s32.msk vm0, v2  }
0xa3: {  	v21 =	vshrl.u32 v18, $0x13;
	v13 =	vand.u32 $0x7F, v26;
	v20 =	vand.u32 $0x1C00, v27  }
0xa4: {  	v22 =	vand.u32 $0x7F, v28;
	v24 =	vand.u32 $0x1C00, v29;
	v14 =	vshrl.u32 v23, $0x13  }
0xa5: {  	v18 =	vshrl.u32 v25, $0x13;
	v23 =	vand.u32 $0x1C00, v31;
	v17 =	vand.u32 $0x7F, v30  }
0xa6: {  	v5 =	vand.u32 $0xFFF, v5;
	v6 =	vand.u32 $0x7F, v6;
	v7 =	vand.u32 $0x1C00, v7  }
0xa7: {  	v4 =	vor.u32 v4, v9;
	v56 =	vand.u32 $0xFFF, v10;
	v57 =	vor.u32 v12, v19  }
0xa8: {  	v8 =	vand.u32 $0xFFF, v8;
	v11 =	vor.u32 v11, v15;
	v58 =	vand.u32 $0xFFF, v16  }
0xa9: {  	v13 =	vor.u32 v13, v20;
	v59 =	vand.u32 $0xFFF, v21;
	vm0 =	veq.s32 v5, v3  }
0xaa: {  	v60 =	vand.u32 $0xFFF, v14;
	v4 =	vor.u32 v1, v4;
	vm1 =	veq.s32 v56, v3  }
0xab: {  	v61 =	vor.u32 v17, v23;
	v10 =	vor.u32 v1, v57;
	vm2 =	veq.s32 v8, v3  }
0xac: {  	v62 =	vand.u32 $0xFFF, v18;
	v11 =	vor.u32 v1, v11;
	vm3 =	veq.s32 v58, v3  }
0xad: {  	v5 =	vor.u32 v22, v24;
	v13 =	vor.u32 v1, v13;
	vm4 =	veq.s32 v59, v3  }
0xae: {  	v6 =	vor.u32 v6, v7;
	vm5 =	veq.s32 v60, v3;
	v5 =	vor.u32 v1, v5  }
0xaf: {  	v63 =	vor.u32 v1, v61;
	vm6 =	veq.s32 v62, v3;
	[tilespmem:v4+s14+$0x0] =	vst.idx.add.s32.msk vm0, v2  }
0xb0: {  	v4 =	vor.u32 v1, v6;
	[tilespmem:v10+s14+$0x0] =	vst.idx.add.s32.msk vm1, v2  }
.Ltmp5:
0xb1: {  	[tilespmem:v11+s14+$0x0] =	vst.idx.add.s32.msk vm2, v2;
	(pc) =	sbr.rel @p0 .LBB2_10-.Ltmp5, $4  }
0xb2: {  	[tilespmem:v13+s14+$0x0] =	vst.idx.add.s32.msk vm3, v2  }
0xb3: {  	[tilespmem:v5+s14+$0x0] =	vst.idx.add.s32.msk vm4, v2  }
0xb4: {  	[tilespmem:v63+s14+$0x0] =	vst.idx.add.s32.msk vm5, v2  }
0xb5: {  	[tilespmem:v4+s14+$0x0] =	vst.idx.add.s32.msk vm6, v2  }
.Ltmp6:
0xb6: {  	(pc) =	sbr.rel .LBB2_4-.Ltmp6, $3  }
0xb7: {  	_ =	sdelay $0x1  }
0xb8: {  	s19 =	sadd.s32 s19, s7;
	s18 =	sadd.s32 $0x1, s18  }
0xb9: {  	[tilespmem:s10], [sflag:$0x2] =	stream.linear.gather [hbm4b:s19+s3], $0x2000, $0x38;
	[tilespmem:$0x8080] =	vst v63  }
.LBB2_11:
0xba: {  	_ =	sfence.sel $0x180000  }
0xbb: {  	[bflag:$0x0] =	sbarrier.arrive $0xFFFF  }
0xbc: {  	p0 =	sne.s32 s2, $0x0;
	_ =	strace $0x9000004A  }
0xbd: {  	s0 =	sadd.s32 @!p0 $0x100000, s0;
	[bflag:$0x2] =	sbarrier.arrive $0xFFFF  }
0xbe: {  	[sflag:s0] =	ssyncadd.tile.s32 @!p0 $0x1;
	_ =	shalt  }
.Lfunc_end2:
_tile_overlayer_lowered:
.L_overlay_start_2:
0xbf: {  	(tag) =	ssettag $0x2  }
0xc0: {  	s0 =	rddreg [dreg:$0x0];
	s2 =	stileid.u32  }
0xc1: {  	s1 =	rddreg [dreg:$0x1];
	p0 =	sne.s32 s2, $0x0  }
0xc2: {  	s3 =	rddreg [dreg:$0x2];
	[bflag:$0x3] =	sbarrier.arrive $0xFFFF;
	s2 =	simm.s32 @!p0 $0x1C03  }
0xc3: {  	[timem:s3], [sflag:s2] =	dma.local @!p0 [hbm:s0], s1  }
0xc4: {  	s0 =	simm.s32 @!p0 $0x3  }
0xc5: {  	_ =	swait.ge @!p0 [sflag:s0], s1  }
0xc6: {  	s1 =	ssub.s32 @!p0 $0x0, s1;
	[sflag:s0] =	ssyncset.done @!p0 $0x0  }
0xc7: {  	[sflag:s0] =	ssyncadd.s32 @!p0 s1  }
0xc8: {  	[bflag:$0x3] =	sbarrier.arrive $0xFFFF  }
0xc9: {  	_ =	shalt  }

// kernel: kernel.7.cloned.1.call-start
scs
__scs_entry_jumppad:
0x0: {  	(pc) =	sbr.rel $0x88, $3  }
0x1: {  	(tag) =	ssettag $0x0;
	lr =	simm.s32 $0x1  }
0x2: {  	[smem:$0x3F9F] =	sst lr;
	_ =	strace $0xD0000000  }
0x3: {  	_ = 	snop  }
0x4: {  	_ = 	snop  }
0x5: {  	_ = 	snop  }
0x6: {  	_ = 	snop  }
0x7: {  	_ = 	snop  }
__scs_overlays_trampoline_lowered:
0x8: {  	[smem:$0x3FAE] =	sst s0  }
0x9: {  	[smem:$0x3FAF] =	sst s1  }
0xa: {  	[smem:$0x3FB0] =	sst s2  }
0xb: {  	[smem:$0x3FB1] =	sst s3  }
0xc: {  	[smem:$0x3FB2] =	sst s4  }
0xd: {  	[smem:$0x3FB3] =	sst s5  }
0xe: {  	[smem:$0x3FB4] =	sst s6  }
0xf: {  	[smem:$0x3FB5] =	sst s7  }
0x10: {  	[smem:$0x3FB6] =	sst s8  }
0x11: {  	[smem:$0x3FB7] =	sst s9;
	s0 =	simm.s32 @!p0 $0x0  }
0x12: {  	s1 =	sld [smem:$0x3F9D];
	s0 =	simm.s32 @p0 $0x1  }
0x13: {  	[smem:$0x3FB8] =	sst s0;
	s0 =	simm.s32 @!p1 $0x0  }
0x14: {  	s2 =	sld [smem:$0x3F9C];
	s0 =	simm.s32 @p1 $0x1  }
0x15: {  	[smem:$0x3FB9] =	sst s0;
	s0 =	simm.s32 @!p2 $0x0  }
0x16: {  	s3 =	sld [smem:$0x3FDB];
	s0 =	simm.s32 @p2 $0x1  }
0x17: {  	s4 =	simm.s32 $0x1BF5;
	[smem:$0x3FBB] =	sst s0  }
0x18: {  	s0 =	sld [smem:$0x3F9E];
	_ =	swait.ge [sflag:s4], $0x0  }
0x19: {  	s7 =	sld [smem:$0x3F9F]  }
0x1a: {  	s8 =	sadd.s32 $0xFFFFE003, lr  }
0x1b: {  	s9 =	sadd.s32 $0xFFFFFEF7, lr;
	s5 =	simm.s32 $0xFFFFFFFF;
	p2 =	slt.u32 s8, $0xFFFFF086  }
0x1c: {  	p1 =	slt.u32 s9, $0xF7A;
	s5 =	simm.s32 @!p2 $0x0  }
0x1d: {  	s5 =	simm.s32 @p1 $0x1;
	p0 =	seq.s32 s7, s2  }
0x1e: {  	s7 =	smul.u32 @!p0 $0xF7A, s2;
	p2 =	seq.s32 @!p0 s5, $0x0  }
0x1f: {  	s9 =	smul.u32 $0xF7A, s1;
	s8 =	simm.s32 @!p0 $0x1BF5;
	p2 =	por !p2, p0  }
0x20: {  	[sflag:s8] =	ssyncset.s32 @!p0 $0xFFFFF086;
	s6 =	sadd.s32 @!p0 s3, s7;
	s7 =	simm.s32 @!p0 $0x108  }
0x21: {  	s3 =	sadd.s32 s3, s9;
	s6 =	sadd.s32 @!p0 $0x88, s6;
	s7 =	simm.s32 @p2 $0x1082  }
0x22: {  	[simem:s7], [sflag:s8] =	dma.local @!p0 [hbm:s6], $0xF7A  }
0x23: {  	s9 =	sor.u32 $0xD0000000, s2;
	s6 =	simm.s32 $0x108;
	_ =	swait.ge @!p0 [sflag:s8], $0x0  }
0x24: {  	s3 =	sadd.s32 $0x88, s3;
	s6 =	simm.s32 @!p1 $0x1082;
	[sflag:s4] =	ssyncset.s32 $0xFFFFF086  }
0x25: {  	[simem:s6], [sflag:s4] =	dma.local [hbm:s3], $0xF7A  }
0x26: {  	[smem:$0x3F9F] =	sst s1;
	(tag) =	ssettag s2;
	_ =	strace s9  }
0x27: {  	s1 =	sld [smem:$0x3FAF]  }
0x28: {  	s2 =	sld [smem:$0x3FB0]  }
0x29: {  	s4 =	sld [smem:$0x3FB2]  }
0x2a: {  	p0 =	seq.s32 s5, $0x0;
	s5 =	sld [smem:$0x3FB3]  }
0x2b: {  	s6 =	sld [smem:$0x3FB4]  }
0x2c: {  	s7 =	sld [smem:$0x3FB5]  }
0x2d: {  	s3 =	simm.s32 $0x108;
	s8 =	sld [smem:$0x3FB6]  }
0x2e: {  	s3 =	simm.s32 @!p0 $0x1082;
	s9 =	sld [smem:$0x3FB7]  }
0x2f: {  	lr =	sadd.s32 s0, s3;
	s0 =	sld [smem:$0x3FAE]  }
0x30: {  	s3 =	sld [smem:$0x3FB1]  }
0x31: {  	[smem:$0x3FBA] =	sst s10  }
0x32: {  	s10 =	sld [smem:$0x3FB8];
	_ =	sdelay $0x3  }
0x33: {  	p0 =	seq.s32 s10, $0x1;
	s10 =	sld [smem:$0x3FBA];
	_ =	sdelay $0x3  }
0x34: {  	[smem:$0x3FBA] =	sst s10  }
0x35: {  	s10 =	sld [smem:$0x3FB9];
	_ =	sdelay $0x3  }
0x36: {  	p1 =	seq.s32 s10, $0x1;
	s10 =	sld [smem:$0x3FBA];
	_ =	sdelay $0x3  }
0x37: {  	[smem:$0x3FBA] =	sst s10  }
0x38: {  	s10 =	sld [smem:$0x3FBB]  }
0x39: {  	_ = 	snop;
	(pc) =	sbr.ind lr, $3  }
0x3a: {  	_ = 	snop  }
0x3b: {  	_ = 	snop  }
0x3c: {  	p2 =	seq.s32 s10, $0x1;
	s10 =	sld [smem:$0x3FBA]  }
0x3d: {  	_ =	shalt  }
0x3e: {  	_ =	shalt  }
0x3f: {  	_ =	shalt  }
0x40: {  	_ =	shalt  }
0x41: {  	_ =	shalt  }
0x42: {  	_ =	shalt  }
0x43: {  	_ =	shalt  }
0x44: {  	_ =	shalt  }
0x45: {  	_ =	shalt  }
0x46: {  	_ =	shalt  }
0x47: {  	_ =	shalt  }
0x48: {  	_ =	shalt  }
0x49: {  	_ =	shalt  }
0x4a: {  	_ =	shalt  }
0x4b: {  	_ =	shalt  }
0x4c: {  	_ =	shalt  }
0x4d: {  	_ =	shalt  }
0x4e: {  	_ =	shalt  }
0x4f: {  	_ =	shalt  }
0x50: {  	_ =	shalt  }
0x51: {  	_ =	shalt  }
0x52: {  	_ =	shalt  }
0x53: {  	_ =	shalt  }
0x54: {  	_ =	shalt  }
0x55: {  	_ =	shalt  }
0x56: {  	_ =	shalt  }
0x57: {  	_ =	shalt  }
0x58: {  	_ =	shalt  }
0x59: {  	_ =	shalt  }
0x5a: {  	_ =	shalt  }
0x5b: {  	_ =	shalt  }
0x5c: {  	_ =	shalt  }
0x5d: {  	_ =	shalt  }
0x5e: {  	_ =	shalt  }
0x5f: {  	_ =	shalt  }
0x60: {  	_ =	shalt  }
0x61: {  	_ =	shalt  }
0x62: {  	_ =	shalt  }
0x63: {  	_ =	shalt  }
0x64: {  	_ =	shalt  }
0x65: {  	_ =	shalt  }
0x66: {  	_ =	shalt  }
0x67: {  	_ =	shalt  }
0x68: {  	_ =	shalt  }
0x69: {  	_ =	shalt  }
0x6a: {  	_ =	shalt  }
0x6b: {  	_ =	shalt  }
0x6c: {  	_ =	shalt  }
0x6d: {  	_ =	shalt  }
0x6e: {  	_ =	shalt  }
0x6f: {  	_ =	shalt  }
0x70: {  	_ =	shalt  }
0x71: {  	_ =	shalt  }
0x72: {  	_ =	shalt  }
0x73: {  	_ =	shalt  }
0x74: {  	_ =	shalt  }
0x75: {  	_ =	shalt  }
0x76: {  	_ =	shalt  }
0x77: {  	_ =	shalt  }
0x78: {  	_ =	shalt  }
0x79: {  	_ =	shalt  }
0x7a: {  	_ =	shalt  }
0x7b: {  	_ =	shalt  }
0x7c: {  	_ =	shalt  }
0x7d: {  	_ =	shalt  }
0x7e: {  	_ =	shalt  }
0x7f: {  	_ =	shalt  }
0x80: {  	_ =	shalt  }
0x81: {  	_ =	shalt  }
0x82: {  	_ =	shalt  }
0x83: {  	_ =	shalt  }
0x84: {  	_ =	shalt  }
0x85: {  	_ =	shalt  }
0x86: {  	_ =	shalt  }
0x87: {  	_ =	shalt  }
.Lfunc_end0:
.L_simem_size_0:
called_computation_lowered:
.L_overlay_start_0:
0x88: {  	s2 =	sld [smem:$0x3FD9]  }
0x89: {  	s3 =	sld [smem:$0x3FFE];
	_ =	sdelay $0x1  }
0x8a: {  	s1 =	srdreg.scid  }
0x8b: {  	s0 =	sand.u32 $0x1, s1  }
0x8c: {  	s17 =	sshll.u32 s0, $0xA;
	s2 =	sadd.s32 s3, s2  }
0x8d: {  	s2 =	sadd.s32 s2, s17  }
0x8e: {  	[smem:$0x3FC6] =	sst s2  }
0x8f: {  	_ = 	snop  }
0x90: {  	s2 =	sld [smem:$0x3FC9]  }
0x91: {  	s18 =	sld [smem:$0x3FC8];
	(tm) =	ssettm $0x1  }
0x92: {  	s4 =	sld [smem:$0x3FFB];
	_ =	sdelay $0x3  }
0x93: {  	_ =	strace s4  }
0x94: {  	s4 =	sld [smem:$0x3FFC];
	_ =	sdelay $0x3  }
0x95: {  	_ =	strace s4  }
0x96: {  	s4 =	sld [smem:$0x3FFD];
	_ =	sdelay $0x3  }
0x97: {  	_ =	strace s4  }
0x98: {  	_ =	strace $0x8FFFFFFF  }
0x99: {  	s19 =	sld [smem:$0x3FDB];
	_ =	sdelay $0x1  }
0x9a: {  	s5 =	simm.s32 $_scs_section_size  }
0x9b: {  	s6 =	simm.s32 $_size__tile_overlayer_lowered;
	s7 =	simm.s32 $_tile_overlayer_lowered  }
0x9c: {  	s22 =	simm.s32 $0x1BFF;
	s21 =	sshll.u32 s7, $0x1;
	s4 =	sadd.s32 s5, s19  }
0x9d: {  	s8 =	simm.s32 $0x0;
	s20 =	sshll.u32 s6, $0x1;
	s6 =	sadd.s32 s21, s4  }
0x9e: {  	[timem:s8], [sflag:s22] =	dma.local [hbm:s6], s20  }
0x9f: {  	_ =	swait.ge [sflag:s22], s20  }
0xa0: {  	s5 =	ssub.s32 $0x0, s20;
	[sflag:s22] =	ssyncset.done $0x0  }
0xa1: {  	[sflag:s22] =	ssyncadd.s32 s5;
	_ =	sdelay $0x1  }
0xa2: {  	s23 =	simm.s32 $0x1B8B  }
0xa3: {  	_ =	swait.ge [sflag:s23], $0x1  }
0xa4: {  	[sflag:s23] =	ssyncset.done $0x0  }
0xa5: {  	s25 =	simm.s32 $0x1B8E;
	s24 =	sld [smem:$0x3FFE];
	[sflag:s23] =	ssyncadd.s32 $0xFFFFFFFF  }
0xa6: {  	s26 =	simm.s32 $execute0_lowered;
	[smem:$0x3FD2] =	sst s25  }
0xa7: {  	s6 =	sshll.u32 s26, $0x1;
	_ =	strace $0x80000046;
	[dreg:$0x1] =	wrdreg $0xFFFFFFFF  }
0xa8: {  	s28 =	simm.s32 $_size_execute0_lowered;
	s4 =	sadd.s32 s4, s6;
	[dreg:$0x0] =	wrdreg $0x0  }
0xa9: {  	s6 =	sshll.u32 s28, $0x1;
	[dreg:$0x2] =	wrdreg s4  }
0xaa: {  	[dreg:$0x3] =	wrdreg s6  }
0xab: {  	[dreg:$0x4] =	wrdreg $0xC0  }
0xac: {  	_ =	task [dreg:s8], $0x5FFFF  }
0xad: {  	[dreg:$0x1] =	wrdreg $0xFFFFFFFF  }
0xae: {  	[dreg:$0x0] =	wrdreg $0x60  }
0xaf: {  	[dreg:$0x2] =	wrdreg s2  }
0xb0: {  	[dreg:$0x3] =	wrdreg s18  }
0xb1: {  	[dreg:$0x4] =	wrdreg s24  }
0xb2: {  	[dreg:$0x5] =	wrdreg $0x9  }
0xb3: {  	_ =	task.clear_ibuf [dreg:s8], $0x6FFFF;
	_ =	strace $0x90000046  }
0xb4: {  	s29 =	simm.s32 $0x9;
	_ =	strace $0x80000048  }
0xb5: {  	_ =	swait.ge [sflag:s29], $0x1  }
0xb6: {  	[sflag:s29] =	ssyncadd.s32 $0xFFFFFFFF  }
0xb7: {  	_ =	strace $0x90000048  }
0xb8: {  	_ =	sfence  }
0xb9: {  	s30 =	sld [smem:$0x0];
	_ =	sdelay $0x2  }
0xba: {  	s31 =	sshll.u32 s1, $0xD;
	s1 =	sshrl.u32 s1, $0x2  }
0xbb: {  	s3 =	sand.u32 $0x4000, s31;
	s1 =	sadd.s32 s1, s30  }
0xbc: {  	s0 =	sor.u32 s3, s0;
	s1 =	sshll.u32 s1, $0x11  }
0xbd: {  	s0 =	sor.u32 s1, s0  }
0xbe: {  	s0 =	sadd.s32 $0x8F2B, s0  }
0xbf: {  	[sflag:s0] =	ssyncadd.remote.s32 $0x1  }
0xc0: {  	_ =	sfence.sel $0xFFFF  }
0xc1: {  	[dreg:$0x0] =	wrdreg $0xFFFFFFFF;
	(pc) =	sbr.abs _section_cstart, $3  }
0xc2: {  	[dreg:$0x1] =	wrdreg $0xFFFFFFFF  }
0xc3: {  	_ =	task.clear_ibuf [dreg:s8], $0x2FFFF;
	_ =	strace $0x9FFFFFFF  }
0xc4: {  	(tm) =	ssettm $0x7FFFFFFF  }
0xc5: {  	_ =	shalt  }
tec
execute0_lowered:
.L_overlay_start_1:
0x0: {  	(tag) =	ssettag $0x1  }
0x1: {  	s1 =	rddreg [dreg:$0x0]  }
0x2: {  	s2 =	rddreg [dreg:$0x1]  }
0x3: {  	s0 =	rddreg [dreg:$0x2]  }
0x4: {  	v0 =	vimm.s32 $0x4380;
	vm0 =	vcmask $0x300;
	s3 =	srdreg.scid;
	s5 =	stileid.u32  }
0x5: {  	vm14 =	vcmask $0x704;
	s4 =	simm.s32 $0x0;
	s15 =	simm.s32 $0x2000;
	s16 =	simm.s32 $0x6000;
	v0 =	vsel vm0, $0x0, v0  }
0x6: {  	vm15 =	vcmask $0xB08;
	s17 =	simm.s32 $0x1;
	s18 =	simm.s32 $0x3;
	s19 =	simm.s32 $0xC000;
	v0 =	vsel vm14, $0x80, v0  }
0x7: {  	vm4 =	vcmask $0xF0C;
	s20 =	simm.s32 $0x8000;
	s21 =	simm.s32 $0x2;
	s22 =	simm.s32 $0x4;
	v0 =	vsel vm15, $0x100, v0  }
0x8: {  	vm5 =	vcmask $0x1310;
	s23 =	simm.s32 $0xA000;
	s24 =	simm.s32 $0x5;
	s28 =	simm.s32 $0x0;
	v0 =	vsel vm4, $0x180, v0  }
0x9: {  	vm6 =	vcmask $0x1714;
	s3 =	sand.u32 $0x1, s3;
	s5 =	sshll.u32 s5, $0x1;
	[smem:$0x7FF] =	sst s4;
	v0 =	vsel vm5, $0x200, v0  }
0xa: {  	vm7 =	vcmask $0x1B18;
	s29 =	simm.s32 $0x0;
	s5 =	sor.u32 s3, s5;
	_ =	strace $0x80000047;
	v0 =	vsel vm6, $0x280, v0  }
0xb: {  	vm8 =	vcmask $0x1F1C;
	s3 =	ssub.s32 $0x2, s3;
	s6 =	sshll.u32 s5, $0xE;
	s8 =	sshll.u32 s5, $0xC;
	v0 =	vsel vm7, $0x300, v0  }
0xc: {  	vm9 =	vcmask $0x2320;
	s9 =	sshrl.u32 s3, $0x1;
	s5 =	sshll.u32 s5, $0x11;
	s7 =	sadd.s32 s6, s0;
	v0 =	vsel vm8, $0x380, v0  }
0xd: {  	vm10 =	vcmask $0x2724;
	s0 =	sadd.s32 s8, s0;
	s3 =	ssub.s32 s3, s9;
	s25 =	sadd.s32 s1, s6;
	v0 =	vsel vm9, $0x4000, v0  }
0xe: {  	vm11 =	vcmask $0x2B28;
	s26 =	sadd.s32 s2, s6;
	s6 =	sor.u32 $0x400, s6;
	[dreg:$0x4] =	wrdreg s25;
	v0 =	vsel vm10, $0x4080, v0  }
.Ltmp0:
0xf: {  	vm12 =	vcmask $0x2F2C;
	[dreg:$0x5] =	wrdreg s26;
	s30 =	sadd.s32 s1, s6;
	v0 =	vsel vm11, $0x4100, v0;
	(pc) =	sbr.rel .LBB2_1-.Ltmp0, $4  }
0x10: {  	vm13 =	vcmask $0x3330;
	s10 =	sor.u32 $0x4000, s5;
	s6 =	sadd.s32 s2, s6;
	[dreg:$0x6] =	wrdreg s30;
	v0 =	vsel vm12, $0x4180, v0  }
0x11: {  	vm14 =	vcmask $0x3734;
	s11 =	sor.u32 $0x6000, s5;
	s0 =	sadd.s32 $0x2600, s0;
	[dreg:$0x7] =	wrdreg s6;
	v0 =	vsel vm13, $0x4200, v0  }
0x12: {  	vm15 =	vcmask $0x3B38;
	s9 =	sadd.s32 $0x22600, s7;
	s31 =	smax.u32 s3, $0x1;
	[dreg:$0x8] =	wrdreg s0;
	v1 =	vsel vm14, $0x4280, v0  }
0x13: {  	v2 =	vimm.s32 $0x1;
	s25 =	simm.s32 $0x6;
	s26 =	simm.s32 $0x7;
	[dreg:$0x9] =	wrdreg s31;
	v0 =	vimm.s32 $0x0;
	v1 =	vsel vm15, $0x4300, v1  }
.LBB2_10:
0x14: {  	_ =	swait.ge [sflag:s24], $0x2000  }
0x15: {  	[sflag:s24] =	ssyncset.done $0x0  }
0x16: {  	[sflag:s24] =	ssyncadd.s32 $0xFFFFE000  }
0x17: {  	_ =	swait.ge [sflag:s25], $0x2000  }
0x18: {  	[sflag:s25] =	ssyncset.done $0x0  }
0x19: {  	s0 =	rddreg [dreg:$0x8];
	[sflag:s25] =	ssyncadd.s32 $0xFFFFE000  }
0x1a: {  	[hbm4b:s0+s4] =	stream.linear.scatter [tilespmem:s19], [sflag:$0x7], $0x8000, $0x38;
	[tilespmem:$0x14000] =	vst v63  }
0x1b: {  	_ =	swait.ge [sflag:s26], $0x8000  }
0x1c: {  	s28 =	sadd.s32 $0x1, s28;
	s31 =	rddreg [dreg:$0x9]  }
0x1d: {  	p0 =	sne.s32 s28, s31  }
.Ltmp1:
0x1e: {  	_ = 	snop;
	(pc) =	sbr.rel @!p0 .LBB2_11-.Ltmp1, $3  }
0x1f: {  	_ =	sdelay $0x1  }
0x20: {  	[sflag:s26] =	ssyncset.done $0x0  }
0x21: {  	[sflag:s26] =	ssyncadd.s32 $0xFFFF8000  }
.LBB2_1:
0x22: {  	s0 =	rddreg [dreg:$0x4]  }
0x23: {  	s13 =	rddreg [dreg:$0x5];
	s3 =	simm.s32 $0x4000  }
0x24: {  	[tilespmem:s4], [sflag:$0x1] =	stream.linear.gather [hbm4b:s0+s4], $0x2000, $0x38;
	[tilespmem:$0x14000] =	vst v63  }
0x25: {  	s31 =	sand.u32 $0x4000, s4;
	s5 =	sand.u32 $0x3C00, s4;
	s0 =	simm.s32 $0x0  }
0x26: {  	[tilespmem:s3], [sflag:$0x3] =	stream.linear.gather [hbm4b:s13+s4], $0x2000, $0x38;
	[tilespmem:$0x14000] =	vst v63  }
0x27: {  	s14 =	rddreg [dreg:$0x6];
	s6 =	sand.u32 $0x380, s0;
	s3 =	sor.u32 s5, s31  }
0x28: {  	[tilespmem:s15], [sflag:$0x2] =	stream.linear.gather [hbm4b:s14+s4], $0x2000, $0x38;
	[tilespmem:$0x14000] =	vst v63  }
0x29: {  	s30 =	rddreg [dreg:$0x7];
	s3 =	sor.u32 s6, s3  }
0x2a: {  	[tilespmem:s16], [sflag:$0x4] =	stream.linear.gather [hbm4b:s30+s4], $0x2000, $0x38;
	[tilespmem:$0x14000] =	vst v63  }
0x2b: {  	[tilespmem:s3+$0xC070] =	vst v0  }
0x2c: {  	[tilespmem:s3+$0xC000] =	vst v0  }
0x2d: {  	[tilespmem:s3+$0xC010] =	vst v0  }
0x2e: {  	[tilespmem:s3+$0xC020] =	vst v0  }
0x2f: {  	s5 =	simm.s32 $0x400;
	s6 =	simm.s32 $0x80;
	[tilespmem:s3+$0xC030] =	vst v0  }
.LBB2_2:
0x30: {  	s0 =	sadd.s32 $0x8, s0;
	s7 =	sand.u32 $0x4000, s6;
	s8 =	sand.u32 $0x3C00, s5;
	[tilespmem:s3+$0xC040] =	vst v0  }
0x31: {  	s14 =	sand.u32 $0x380, s0;
	s7 =	sor.u32 s8, s7;
	p0 =	slt.u32 s0, $0x7F8;
	[tilespmem:s3+$0xC050] =	vst v0  }
0x32: {  	[tilespmem:s3+$0xC060] =	vst v0;
	s3 =	sor.u32 s14, s7  }
.Ltmp2:
0x33: {  	[tilespmem:s3+$0xC070] =	vst v0;
	(pc) =	sbr.rel @p0 .LBB2_2-.Ltmp2, $4  }
0x34: {  	[tilespmem:s3+$0xC000] =	vst v0  }
0x35: {  	[tilespmem:s3+$0xC010] =	vst v0  }
0x36: {  	[tilespmem:s3+$0xC020] =	vst v0  }
0x37: {  	s5 =	sadd.s32 $0x400, s5;
	s6 =	sadd.s32 $0x80, s6;
	[tilespmem:s3+$0xC030] =	vst v0  }
0x38: {  	[tilespmem:s3+$0xC040] =	vst v0  }
0x39: {  	[tilespmem:s3+$0xC050] =	vst v0  }
0x3a: {  	[tilespmem:s3+$0xC060] =	vst v0;
	s30 =	simm.s32 $0x0  }
.LBB2_4:
0x3b: {  	_ =	swait.ge [sflag:s17], $0x2000  }
0x3c: {  	[sflag:s17] =	ssyncset.done $0x0  }
0x3d: {  	[sflag:s17] =	ssyncadd.s32 $0xFFFFE000  }
0x3e: {  	_ =	swait.ge [sflag:s18], $0x2000  }
0x3f: {  	p0 =	seq.s32 s30, $0x0;
	[sflag:s18] =	ssyncset.done $0x0  }
0x40: {  	s0 =	simm.s32 @!p0 $0x5;
	[sflag:s18] =	ssyncadd.s32 $0xFFFFE000  }
0x41: {  	_ =	swait.ge @!p0 [sflag:s0], $0x2000  }
0x42: {  	[sflag:s0] =	ssyncset.done @!p0 $0x0  }
0x43: {  	s3 =	simm.s32 $0x40;
	[sflag:s0] =	ssyncadd.s32 @!p0 $0xFFFFE000  }
0x44: {  	s0 =	simm.s32 $0x4040;
	v3 =	vld [tilespmem:s3+$0x30]  }
0x45: {  	v4 =	vld [tilespmem:s0+$0x30]  }
0x46: {  	v10 =	vld [tilespmem:s3+$0xFFFFFFC0]  }
0x47: {  	v11 =	vld [tilespmem:s3+$0xFFFFFFD0]  }
0x48: {  	v12 =	vld [tilespmem:s3+$0xFFFFFFE0]  }
0x49: {  	v13 =	vld [tilespmem:s3+$0xFFFFFFF0]  }
0x4a: {  	v19 =	vld [tilespmem:s0+$0xFFFFFFC0]  }
0x4b: {  	v20 =	vld [tilespmem:s0+$0xFFFFFFD0]  }
0x4c: {  	v21 =	vld [tilespmem:s0+$0xFFFFFFE0]  }
0x4d: {  	v22 =	vld [tilespmem:s0+$0xFFFFFFF0]  }
0x4e: {  	v23 =	vld [tilespmem:s0+$0x0];
	_ =	sdelay $0x1  }
0x4f: {  	v15 =	vsub.f32 $1.000000000e+00, v3;
	v9 =	vsub.f32 $1.000000000e+00, v10  }
0x50: {  	vm1 =	vge.f32 v4, $5.000000000e-01;
	v8 =	vsub.f32 $1.000000000e+00, v11;
	v6 =	vsub.f32 $1.000000000e+00, v12  }
0x51: {  	v5 =	vsub.f32 $1.000000000e+00, v13;
	vm5 =	vge.f32 v19, $5.000000000e-01;
	vm2 =	vge.f32 v20, $5.000000000e-01  }
0x52: {  	vm3 =	vge.f32 v21, $5.000000000e-01;
	vm0 =	vge.f32 v22, $5.000000000e-01;
	vm6 =	vge.f32 v23, $5.000000000e-01  }
0x53: {  	v14 =	vld [tilespmem:s3+$0x0];
	v18 =	vsel vm1, v3, v15;
	v29 =	vsel vm5, v10, v9;
	v30 =	vsel vm2, v11, v8  }
0x54: {  	v19 =	vld [tilespmem:s0+$0x10];
	v31 =	vsel vm3, v12, v6;
	v32 =	vsel vm0, v13, v5;
	v3 =	vshra.s32 v18, $0x13  }
0x55: {  	v18 =	vand.u32 $0x7FFFFFFF, v18;
	v20 =	vshra.s32 v30, $0x13;
	v21 =	vshra.s32 v32, $0x13  }
0x56: {  	v16 =	vld [tilespmem:s3+$0x10];
	v30 =	vand.u32 $0x7FFFFFFF, v30;
	v4 =	vshll.u32 v3, $0x3;
	v3 =	vand.u32 $0x7F, v3  }
0x57: {  	v17 =	vld [tilespmem:s3+$0x20];
	v11 =	vxor.u32 $0x80000000, v18;
	v18 =	vshra.s32 v29, $0x13;
	v13 =	vshll.u32 v21, $0x3  }
0x58: {  	v10 =	vld [tilespmem:s0+$0x20];
	v29 =	vand.u32 $0x7FFFFFFF, v29;
	v7 =	vand.u32 $0xFFFFFC00, v4;
	v4 =	vsub.f32 $1.000000000e+00, v14  }
0x59: {  	v22 =	vsel vm1, v11, v15;
	vm1 =	vge.f32 v19, $5.000000000e-01;
	v19 =	vshra.s32 v31, $0x13  }
0x5a: {  	v11 =	vshll.u32 v20, $0x3;
	v13 =	vand.u32 $0xFFFFFC00, v13;
	v7 =	vor.u32 v3, v7  }
0x5b: {  	v3 =	vsub.f32 $1.000000000e+00, v16;
	v12 =	vshll.u32 v19, $0x3;
	v15 =	vand.u32 $0xFFFFFC00, v11  }
0x5c: {  	v28 =	vand.u32 $0x7F, v19;
	v27 =	vadd.s32 v1, v7;
	v7 =	vsub.f32 $1.000000000e+00, v17  }
0x5d: {  	v33 =	vsel vm6, v14, v4;
	vm4 =	vge.f32 v10, $5.000000000e-01;
	v10 =	vshll.u32 v18, $0x3  }
0x5e: {  	v14 =	vand.u32 $0xFFFFFC00, v12;
	v34 =	vsel vm1, v16, v3;
	v23 =	vshra.s32 v33, $0x13  }
0x5f: {  	v16 =	vand.u32 $0xFFFFFC00, v10;
	v17 =	vsel vm4, v17, v7;
	v35 =	vshra.s32 v34, $0x13  }
0x60: {  	v24 =	vshll.u32 v23, $0x3;
	v19 =	vand.u32 $0x7FFFFFFF, v34;
	v36 =	vshra.s32 v17, $0x13  }
0x61: {  	s14 =	simm.s32 $0x0;
	v25 =	vshll.u32 v35, $0x3;
	v12 =	vand.u32 $0xFFFFFC00, v24;
	v24 =	vand.u32 $0x7F, v20  }
0x62: {  	s5 =	sand.u32 $0xC00, s29;
	s6 =	simm.s32 $0x0;
	s3 =	sand.u32 $0x1000, s14;
	v20 =	vand.u32 $0x7F, v23;
	v23 =	vand.u32 $0x7FFFFFFF, v32;
	v17 =	vand.u32 $0x7FFFFFFF, v17  }
0x63: {  	s6 =	sand.u32 $0x380, s6;
	s3 =	sor.u32 s5, s3;
	v26 =	vshll.u32 v36, $0x3;
	v11 =	vand.u32 $0xFFFFFC00, v25;
	v25 =	vand.u32 $0x7F, v18  }
0x64: {  	s31 =	sshll.u32 s30, $0xE;
	s3 =	sor.u32 s6, s3;
	v18 =	vand.u32 $0x7F, v36;
	v10 =	vand.u32 $0xFFFFFC00, v26;
	v26 =	vand.u32 $0x7F, v21;
	[tilespmem:v27+s19+$0x0] =	vst.idx.add.s32.msk $0xffff, v2  }
0x65: {  	s14 =	simm.s32 $0x0;
	s5 =	simm.s32 $0x0;
	s6 =	simm.s32 $0xC0;
	v21 =	vand.u32 $0x7F, v35;
	v27 =	vand.u32 $0x7FFFFFFF, v31;
	[tilespmem:s3+$0x8070] =	vst v22;
	v22 =	vand.u32 $0x7FFFFFFF, v33  }
.LBB2_5:
0x66: {  	v31 =	vld [tilespmem:s6+$0x30];
	v16 =	vor.u32 v25, v16;
	v15 =	vor.u32 v24, v15;
	v14 =	vor.u32 v28, v14;
	s0 =	sadd.s32 $0x80, s0  }
0x67: {  	v13 =	vor.u32 v26, v13;
	v12 =	vor.u32 v20, v12;
	v11 =	vor.u32 v21, v11;
	v24 =	vld [tilespmem:s0+$0x30]  }
0x68: {  	v21 =	vxor.u32 $0x80000000, v29;
	v25 =	vxor.u32 $0x80000000, v30;
	v10 =	vor.u32 v18, v10;
	v20 =	vld [tilespmem:s6+$0xFFFFFFC0]  }
0x69: {  	v26 =	vxor.u32 $0x80000000, v27;
	v23 =	vxor.u32 $0x80000000, v23;
	v22 =	vxor.u32 $0x80000000, v22;
	v18 =	vld [tilespmem:s6+$0xFFFFFFD0]  }
0x6a: {  	v19 =	vxor.u32 $0x80000000, v19;
	v17 =	vxor.u32 $0x80000000, v17;
	v16 =	vadd.s32 v1, v16;
	v27 =	vld [tilespmem:s6+$0xFFFFFFE0]  }
0x6b: {  	v15 =	vadd.s32 v1, v15;
	v14 =	vadd.s32 v1, v14;
	v28 =	vld [tilespmem:s6+$0xFFFFFFF0];
	v29 =	vsub.f32 $1.000000000e+00, v31  }
0x6c: {  	v13 =	vadd.s32 v1, v13;
	v30 =	vld [tilespmem:s6+$0x0];
	vm7 =	vge.f32 v24, $5.000000000e-01;
	v24 =	vadd.s32 v1, v12  }
0x6d: {  	v33 =	vadd.s32 v1, v11;
	v12 =	vsub.f32 $1.000000000e+00, v20;
	v32 =	vld [tilespmem:s6+$0x10];
	v31 =	vsel vm7, v31, v29  }
0x6e: {  	v36 =	vadd.s32 v1, v10;
	v11 =	vsub.f32 $1.000000000e+00, v18;
	v34 =	vld [tilespmem:s6+$0x20];
	v35 =	vshra.s32 v31, $0x13  }
0x6f: {  	v21 =	vsel vm5, v21, v9;
	v10 =	vld [tilespmem:s0+$0xFFFFFFC0];
	v37 =	vsub.f32 $1.000000000e+00, v27;
	v38 =	vshll.u32 v35, $0x3;
	v9 =	vmovc v12  }
0x70: {  	v35 =	vand.u32 $0x7F, v35;
	v12 =	vld [tilespmem:s0+$0xFFFFFFD0];
	v39 =	vsub.f32 $1.000000000e+00, v28;
	v38 =	vand.u32 $0xFFFFFC00, v38  }
0x71: {  	v25 =	vsel vm2, v25, v8;
	v8 =	vmovc v11;
	v40 =	vld [tilespmem:s0+$0xFFFFFFE0];
	v41 =	vsub.f32 $1.000000000e+00, v30;
	v35 =	vor.u32 v35, v38  }
0x72: {  	v26 =	vsel vm3, v26, v6;
	v6 =	vmovc v37;
	v11 =	vld [tilespmem:s0+$0xFFFFFFF0];
	v38 =	vsub.f32 $1.000000000e+00, v32;
	v35 =	vadd.s32 v1, v35  }
0x73: {  	s5 =	sadd.s32 $0x8, s5;
	v23 =	vsel vm0, v23, v5;
	v22 =	vsel vm6, v22, v4;
	v5 =	vmovc v39;
	v37 =	vld [tilespmem:s0+$0x0];
	v42 =	vsub.f32 $1.000000000e+00, v34;
	v4 =	vmovc v41  }
0x74: {  	s14 =	sadd.s32 $0x400, s14;
	s7 =	sshll.u32 s5, $0x4;
	p1 =	slt.u32 s5, $0x1F8;
	v19 =	vsel vm1, v19, v3;
	v39 =	vsel vm4, v17, v7;
	vm5 =	vge.f32 v10, $5.000000000e-01;
	v10 =	vld [tilespmem:s0+$0x10];
	v3 =	vmovc v38  }
0x75: {  	s8 =	sand.u32 $0xC00, s14;
	s12 =	sshll.u32 s5, $0x2;
	s7 =	sand.u32 $0x1000, s7;
	v17 =	vsel vm5, v20, v9;
	vm2 =	vge.f32 v12, $5.000000000e-01;
	v12 =	vld [tilespmem:s0+$0x20];
	v20 =	vand.u32 $0x7FFFFFFF, v31;
	v7 =	vmovc v42  }
0x76: {  	s12 =	sand.u32 $0x380, s12;
	s7 =	sor.u32 s8, s7;
	v31 =	vsel vm2, v18, v8;
	vm3 =	vge.f32 v40, $5.000000000e-01;
	v18 =	vxor.u32 $0x80000000, v20;
	[tilespmem:v16+s19+$0x0] =	vst.idx.add.s32.msk $0xffff, v2  }
0x77: {  	s7 =	sor.u32 s12, s7;
	v27 =	vsel vm3, v27, v6;
	vm0 =	vge.f32 v11, $5.000000000e-01;
	[tilespmem:v35+s19+$0x0] =	vst.idx.add.s32.msk $0xffff, v2;
	v11 =	vsel vm7, v18, v29  }
0x78: {  	v18 =	vshra.s32 v17, $0x13;
	v35 =	vsel vm0, v28, v5;
	vm6 =	vge.f32 v37, $5.000000000e-01;
	[tilespmem:s7+$0x8070] =	vst v11  }
0x79: {  	v20 =	vshra.s32 v31, $0x13;
	v37 =	vsel vm6, v30, v4;
	vm1 =	vge.f32 v10, $5.000000000e-01;
	[tilespmem:s3+$0x8000] =	vst v21  }
0x7a: {  	v21 =	vshra.s32 v27, $0x13;
	v32 =	vsel vm1, v32, v3;
	vm4 =	vge.f32 v12, $5.000000000e-01;
	[tilespmem:v15+s19+$0x0] =	vst.idx.add.s32.msk $0xffff, v2  }
0x7b: {  	v29 =	vshra.s32 v35, $0x13;
	v30 =	vshra.s32 v37, $0x13;
	v34 =	vsel vm4, v34, v7;
	[tilespmem:s3+$0x8010] =	vst v25  }
0x7c: {  	v10 =	vshll.u32 v18, $0x3;
	v38 =	vshra.s32 v32, $0x13;
	v40 =	vshra.s32 v34, $0x13;
	[tilespmem:v14+s19+$0x0] =	vst.idx.add.s32.msk $0xffff, v2  }
0x7d: {  	v11 =	vshll.u32 v20, $0x3;
	v12 =	vshll.u32 v21, $0x3;
	v25 =	vshll.u32 v29, $0x3;
	[tilespmem:s3+$0x8020] =	vst v26  }
0x7e: {  	v28 =	vshll.u32 v38, $0x3;
	v26 =	vshll.u32 v30, $0x3;
	v41 =	vshll.u32 v40, $0x3;
	[tilespmem:v13+s19+$0x0] =	vst.idx.add.s32.msk $0xffff, v2  }
0x7f: {  	v16 =	vand.u32 $0xFFFFFC00, v10;
	v15 =	vand.u32 $0xFFFFFC00, v11;
	v14 =	vand.u32 $0xFFFFFC00, v12;
	[tilespmem:s3+$0x8030] =	vst v23  }
0x80: {  	v11 =	vand.u32 $0xFFFFFC00, v28;
	v13 =	vand.u32 $0xFFFFFC00, v25;
	v12 =	vand.u32 $0xFFFFFC00, v26;
	[tilespmem:v24+s19+$0x0] =	vst.idx.add.s32.msk $0xffff, v2  }
.Ltmp3:
0x81: {  	v25 =	vand.u32 $0x7F, v18;
	v10 =	vand.u32 $0xFFFFFC00, v41;
	v24 =	vand.u32 $0x7F, v20;
	[tilespmem:s3+$0x8040] =	vst v22;
	(pc) =	sbr.rel @p1 .LBB2_5-.Ltmp3, $4  }
0x82: {  	v28 =	vand.u32 $0x7F, v21;
	v26 =	vand.u32 $0x7F, v29;
	v20 =	vand.u32 $0x7F, v30;
	[tilespmem:v33+s19+$0x0] =	vst.idx.add.s32.msk $0xffff, v2  }
0x83: {  	v21 =	vand.u32 $0x7F, v38;
	v29 =	vand.u32 $0x7FFFFFFF, v17;
	v18 =	vand.u32 $0x7F, v40;
	[tilespmem:s3+$0x8050] =	vst v19  }
0x84: {  	v27 =	vand.u32 $0x7FFFFFFF, v27;
	v23 =	vand.u32 $0x7FFFFFFF, v35;
	v30 =	vand.u32 $0x7FFFFFFF, v31;
	[tilespmem:v36+s19+$0x0] =	vst.idx.add.s32.msk $0xffff, v2  }
0x85: {  	s6 =	sadd.s32 $0x80, s6;
	v17 =	vand.u32 $0x7FFFFFFF, v34;
	v22 =	vand.u32 $0x7FFFFFFF, v37;
	v19 =	vand.u32 $0x7FFFFFFF, v32;
	[tilespmem:s3+$0x8060] =	vst v39;
	s3 =	smov.u32 s7  }
0x86: {  	v16 =	vor.u32 v25, v16  }
0x87: {  	v15 =	vor.u32 v24, v15;
	v16 =	vadd.s32 v1, v16  }
0x88: {  	v15 =	vadd.s32 v1, v15  }
0x89: {  	v14 =	vor.u32 v28, v14  }
0x8a: {  	v14 =	vadd.s32 v1, v14  }
0x8b: {  	v13 =	vor.u32 v26, v13  }
0x8c: {  	v24 =	vxor.u32 $0x80000000, v29;
	v13 =	vadd.s32 v1, v13;
	[tilespmem:v16+s19+$0x0] =	vst.idx.add.s32.msk $0xffff, v2  }
0x8d: {  	v9 =	vsel vm5, v24, v9;
	[tilespmem:v15+s19+$0x0] =	vst.idx.add.s32.msk $0xffff, v2  }
0x8e: {  	v16 =	vxor.u32 $0x80000000, v30;
	[tilespmem:s3+$0x8000] =	vst v9;
	v9 =	vor.u32 v20, v12  }
0x8f: {  	[tilespmem:v14+s19+$0x0] =	vst.idx.add.s32.msk $0xffff, v2;
	v8 =	vsel vm2, v16, v8;
	v9 =	vadd.s32 v1, v9  }
0x90: {  	v12 =	vxor.u32 $0x80000000, v27;
	[tilespmem:s3+$0x8010] =	vst v8;
	v8 =	vor.u32 v21, v11  }
0x91: {  	[tilespmem:v13+s19+$0x0] =	vst.idx.add.s32.msk $0xffff, v2;
	v6 =	vsel vm3, v12, v6;
	v11 =	vxor.u32 $0x80000000, v23;
	v8 =	vadd.s32 v1, v8  }
0x92: {  	[tilespmem:s3+$0x8020] =	vst v6;
	v6 =	vor.u32 v18, v10;
	v5 =	vsel vm0, v11, v5  }
0x93: {  	v10 =	vxor.u32 $0x80000000, v22;
	v6 =	vadd.s32 v1, v6;
	[tilespmem:s3+$0x8030] =	vst v5  }
0x94: {  	v4 =	vsel vm6, v10, v4;
	[tilespmem:v9+s19+$0x0] =	vst.idx.add.s32.msk $0xffff, v2  }
0x95: {  	v5 =	vxor.u32 $0x80000000, v19;
	[tilespmem:s3+$0x8040] =	vst v4  }
0x96: {  	v3 =	vsel vm1, v5, v3;
	[tilespmem:v8+s19+$0x0] =	vst.idx.add.s32.msk $0xffff, v2  }
0x97: {  	v4 =	vxor.u32 $0x80000000, v17;
	[tilespmem:s3+$0x8050] =	vst v3  }
0x98: {  	s0 =	sshll.u32 s30, $0xB;
	p1 =	seq.s32 s30, $0x7;
	v3 =	vsel vm4, v4, v7;
	[tilespmem:v6+s19+$0x0] =	vst.idx.add.s32.msk $0xffff, v2  }
0x99: {  	s0 =	sadd.s32 s0, s9;
	[tilespmem:s3+$0x8060] =	vst v3;
	s3 =	sadd.s32 @!p1 s31, s10  }
0x9a: {  	[hbm4b:s0+s4] =	stream.linear.scatter [tilespmem:s20], [sflag:$0x5], $0x2000, $0x38;
	[tilespmem:$0x14000] =	vst v63  }
0x9b: {  	s3 =	sshrl.u32 @!p1 s3, $0x3  }
0x9c: {  	s6 =	simm.s32 @!p1 $0x0;
	s5 =	sadd.s32 @!p1 s1, s3  }
0x9d: {  	[tilespmem:s6], [sflag:$0x1] =	stream.linear.gather @!p1 [hbm4b:s5+s6], $0x2000, $0x38;
	[tilespmem:$0x14000] =	vst v63  }
0x9e: {  	s3 =	sadd.s32 @!p1 s2, s3;
	s5 =	simm.s32 @!p1 $0x4000  }
0x9f: {  	[tilespmem:s5], [sflag:$0x3] =	stream.linear.gather @!p1 [hbm4b:s3+s6], $0x2000, $0x38;
	[tilespmem:$0x14000] =	vst v63  }
0xa0: {  	_ =	swait.ge [sflag:s21], $0x2000  }
0xa1: {  	[sflag:s21] =	ssyncset.done $0x0  }
0xa2: {  	[sflag:s21] =	ssyncadd.s32 $0xFFFFE000  }
0xa3: {  	_ =	swait.ge [sflag:s22], $0x2000  }
0xa4: {  	[sflag:s22] =	ssyncset.done $0x0  }
0xa5: {  	s3 =	simm.s32 @!p0 $0x6;
	[sflag:s22] =	ssyncadd.s32 $0xFFFFE000  }
0xa6: {  	_ =	swait.ge @!p0 [sflag:s3], $0x2000  }
0xa7: {  	[sflag:s3] =	ssyncset.done @!p0 $0x0  }
0xa8: {  	s13 =	simm.s32 $0x2040;
	[sflag:s3] =	ssyncadd.s32 @!p0 $0xFFFFE000  }
0xa9: {  	s3 =	simm.s32 $0x6040;
	v3 =	vld [tilespmem:s13+$0x30]  }
0xaa: {  	v4 =	vld [tilespmem:s3+$0x30]  }
0xab: {  	v10 =	vld [tilespmem:s13+$0xFFFFFFC0]  }
0xac: {  	v11 =	vld [tilespmem:s13+$0xFFFFFFD0]  }
0xad: {  	v12 =	vld [tilespmem:s13+$0xFFFFFFE0]  }
0xae: {  	v13 =	vld [tilespmem:s13+$0xFFFFFFF0]  }
0xaf: {  	v19 =	vld [tilespmem:s3+$0xFFFFFFC0]  }
0xb0: {  	v20 =	vld [tilespmem:s3+$0xFFFFFFD0]  }
0xb1: {  	v21 =	vld [tilespmem:s3+$0xFFFFFFE0]  }
0xb2: {  	v22 =	vld [tilespmem:s3+$0xFFFFFFF0]  }
0xb3: {  	v23 =	vld [tilespmem:s3+$0x0];
	_ =	sdelay $0x1  }
0xb4: {  	v15 =	vsub.f32 $1.000000000e+00, v3;
	v9 =	vsub.f32 $1.000000000e+00, v10  }
0xb5: {  	vm1 =	vge.f32 v4, $5.000000000e-01;
	v8 =	vsub.f32 $1.000000000e+00, v11;
	v6 =	vsub.f32 $1.000000000e+00, v12  }
0xb6: {  	v5 =	vsub.f32 $1.000000000e+00, v13;
	vm5 =	vge.f32 v19, $5.000000000e-01;
	vm2 =	vge.f32 v20, $5.000000000e-01  }
0xb7: {  	vm3 =	vge.f32 v21, $5.000000000e-01;
	vm0 =	vge.f32 v22, $5.000000000e-01;
	vm6 =	vge.f32 v23, $5.000000000e-01  }
0xb8: {  	v14 =	vld [tilespmem:s13+$0x0];
	v18 =	vsel vm1, v3, v15;
	v29 =	vsel vm5, v10, v9;
	v30 =	vsel vm2, v11, v8  }
0xb9: {  	v19 =	vld [tilespmem:s3+$0x10];
	v21 =	vsel vm3, v12, v6;
	v32 =	vsel vm0, v13, v5;
	v3 =	vshra.s32 v18, $0x13  }
0xba: {  	v18 =	vand.u32 $0x7FFFFFFF, v18;
	v20 =	vshra.s32 v30, $0x13;
	v22 =	vshra.s32 v32, $0x13  }
0xbb: {  	v16 =	vld [tilespmem:s13+$0x10];
	v30 =	vand.u32 $0x7FFFFFFF, v30;
	v4 =	vshll.u32 v3, $0x3;
	v3 =	vand.u32 $0x7F, v3  }
0xbc: {  	v17 =	vld [tilespmem:s13+$0x20];
	v11 =	vxor.u32 $0x80000000, v18;
	v18 =	vshra.s32 v29, $0x13;
	v13 =	vshll.u32 v22, $0x3  }
0xbd: {  	v10 =	vld [tilespmem:s3+$0x20];
	v29 =	vand.u32 $0x7FFFFFFF, v29;
	v7 =	vand.u32 $0xFFFFFC00, v4;
	v4 =	vsub.f32 $1.000000000e+00, v14  }
0xbe: {  	v31 =	vsel vm1, v11, v15;
	vm1 =	vge.f32 v19, $5.000000000e-01;
	v19 =	vshra.s32 v21, $0x13  }
0xbf: {  	v11 =	vshll.u32 v20, $0x3;
	v13 =	vand.u32 $0xFFFFFC00, v13;
	v7 =	vor.u32 v3, v7  }
0xc0: {  	v3 =	vsub.f32 $1.000000000e+00, v16;
	v12 =	vshll.u32 v19, $0x3;
	v15 =	vand.u32 $0xFFFFFC00, v11  }
0xc1: {  	v28 =	vand.u32 $0x7F, v19;
	v27 =	vadd.s32 v1, v7;
	v7 =	vsub.f32 $1.000000000e+00, v17  }
0xc2: {  	v33 =	vsel vm6, v14, v4;
	vm4 =	vge.f32 v10, $5.000000000e-01;
	v10 =	vshll.u32 v18, $0x3  }
0xc3: {  	v14 =	vand.u32 $0xFFFFFC00, v12;
	v34 =	vsel vm1, v16, v3;
	v23 =	vshra.s32 v33, $0x13  }
0xc4: {  	v16 =	vand.u32 $0xFFFFFC00, v10;
	v17 =	vsel vm4, v17, v7;
	v35 =	vshra.s32 v34, $0x13  }
0xc5: {  	v24 =	vshll.u32 v23, $0x3;
	v19 =	vand.u32 $0x7FFFFFFF, v34;
	v36 =	vshra.s32 v17, $0x13  }
0xc6: {  	s14 =	simm.s32 $0x0;
	s5 =	simm.s32 $0x0;
	v25 =	vshll.u32 v35, $0x3;
	v12 =	vand.u32 $0xFFFFFC00, v24;
	v24 =	vand.u32 $0x7F, v20  }
0xc7: {  	s8 =	simm.s32 $0x0;
	s6 =	sand.u32 $0x1000, s14;
	s7 =	sand.u32 $0xC00, s5;
	v20 =	vand.u32 $0x7F, v23;
	v23 =	vand.u32 $0x7FFFFFFF, v32;
	v17 =	vand.u32 $0x7FFFFFFF, v17  }
0xc8: {  	s8 =	sand.u32 $0x380, s8;
	s6 =	sor.u32 s7, s6;
	v26 =	vshll.u32 v36, $0x3;
	v11 =	vand.u32 $0xFFFFFC00, v25;
	v25 =	vand.u32 $0x7F, v18  }
0xc9: {  	s14 =	sor.u32 s8, s6;
	v18 =	vand.u32 $0x7F, v36;
	v10 =	vand.u32 $0xFFFFFC00, v26;
	v26 =	vand.u32 $0x7F, v22;
	[tilespmem:v27+s19+$0x0] =	vst.idx.add.s32.msk $0xffff, v2  }
0xca: {  	s7 =	simm.s32 $0x20C0;
	s6 =	simm.s32 $0x0;
	v22 =	vand.u32 $0x7F, v35;
	v27 =	vand.u32 $0x7FFFFFFF, v21;
	v21 =	vand.u32 $0x7FFFFFFF, v33;
	[tilespmem:s14+$0xA070] =	vst v31  }
.LBB2_7:
0xcb: {  	v31 =	vld [tilespmem:s7+$0x30];
	v16 =	vor.u32 v25, v16;
	v15 =	vor.u32 v24, v15;
	v14 =	vor.u32 v28, v14;
	s3 =	sadd.s32 $0x80, s3  }
0xcc: {  	v13 =	vor.u32 v26, v13;
	v12 =	vor.u32 v20, v12;
	v11 =	vor.u32 v22, v11;
	v24 =	vld [tilespmem:s3+$0x30]  }
0xcd: {  	v22 =	vxor.u32 $0x80000000, v29;
	v25 =	vxor.u32 $0x80000000, v30;
	v10 =	vor.u32 v18, v10;
	v20 =	vld [tilespmem:s7+$0xFFFFFFC0]  }
0xce: {  	v26 =	vxor.u32 $0x80000000, v27;
	v23 =	vxor.u32 $0x80000000, v23;
	v21 =	vxor.u32 $0x80000000, v21;
	v18 =	vld [tilespmem:s7+$0xFFFFFFD0]  }
0xcf: {  	v19 =	vxor.u32 $0x80000000, v19;
	v17 =	vxor.u32 $0x80000000, v17;
	v16 =	vadd.s32 v1, v16;
	v27 =	vld [tilespmem:s7+$0xFFFFFFE0]  }
0xd0: {  	v15 =	vadd.s32 v1, v15;
	v14 =	vadd.s32 v1, v14;
	v28 =	vld [tilespmem:s7+$0xFFFFFFF0];
	v29 =	vsub.f32 $1.000000000e+00, v31  }
0xd1: {  	v13 =	vadd.s32 v1, v13;
	v30 =	vld [tilespmem:s7+$0x0];
	vm7 =	vge.f32 v24, $5.000000000e-01;
	v24 =	vadd.s32 v1, v12  }
0xd2: {  	v33 =	vadd.s32 v1, v11;
	v12 =	vsub.f32 $1.000000000e+00, v20;
	v32 =	vld [tilespmem:s7+$0x10];
	v31 =	vsel vm7, v31, v29  }
0xd3: {  	v36 =	vadd.s32 v1, v10;
	v11 =	vsub.f32 $1.000000000e+00, v18;
	v34 =	vld [tilespmem:s7+$0x20];
	v35 =	vshra.s32 v31, $0x13  }
0xd4: {  	v22 =	vsel vm5, v22, v9;
	v10 =	vld [tilespmem:s3+$0xFFFFFFC0];
	v37 =	vsub.f32 $1.000000000e+00, v27;
	v38 =	vshll.u32 v35, $0x3;
	v9 =	vmovc v12  }
0xd5: {  	v35 =	vand.u32 $0x7F, v35;
	v12 =	vld [tilespmem:s3+$0xFFFFFFD0];
	v39 =	vsub.f32 $1.000000000e+00, v28;
	v38 =	vand.u32 $0xFFFFFC00, v38  }
0xd6: {  	v25 =	vsel vm2, v25, v8;
	v8 =	vmovc v11;
	v40 =	vld [tilespmem:s3+$0xFFFFFFE0];
	v41 =	vsub.f32 $1.000000000e+00, v30;
	v35 =	vor.u32 v35, v38  }
0xd7: {  	v26 =	vsel vm3, v26, v6;
	v6 =	vmovc v37;
	v11 =	vld [tilespmem:s3+$0xFFFFFFF0];
	v38 =	vsub.f32 $1.000000000e+00, v32;
	v35 =	vadd.s32 v1, v35  }
0xd8: {  	s6 =	sadd.s32 $0x8, s6;
	v23 =	vsel vm0, v23, v5;
	v21 =	vsel vm6, v21, v4;
	v5 =	vmovc v39;
	v37 =	vld [tilespmem:s3+$0x0];
	v42 =	vsub.f32 $1.000000000e+00, v34;
	v4 =	vmovc v41  }
0xd9: {  	s5 =	sadd.s32 $0x400, s5;
	s8 =	sshll.u32 s6, $0x4;
	p0 =	slt.u32 s6, $0x1F8;
	v19 =	vsel vm1, v19, v3;
	v39 =	vsel vm4, v17, v7;
	vm5 =	vge.f32 v10, $5.000000000e-01;
	v10 =	vld [tilespmem:s3+$0x10];
	v3 =	vmovc v38  }
0xda: {  	s12 =	sand.u32 $0xC00, s5;
	s13 =	sshll.u32 s6, $0x2;
	s8 =	sand.u32 $0x1000, s8;
	v17 =	vsel vm5, v20, v9;
	vm2 =	vge.f32 v12, $5.000000000e-01;
	v12 =	vld [tilespmem:s3+$0x20];
	v20 =	vand.u32 $0x7FFFFFFF, v31;
	v7 =	vmovc v42  }
0xdb: {  	s13 =	sand.u32 $0x380, s13;
	s8 =	sor.u32 s12, s8;
	v31 =	vsel vm2, v18, v8;
	vm3 =	vge.f32 v40, $5.000000000e-01;
	v18 =	vxor.u32 $0x80000000, v20;
	[tilespmem:v16+s19+$0x0] =	vst.idx.add.s32.msk $0xffff, v2  }
0xdc: {  	s8 =	sor.u32 s13, s8;
	v27 =	vsel vm3, v27, v6;
	vm0 =	vge.f32 v11, $5.000000000e-01;
	[tilespmem:v35+s19+$0x0] =	vst.idx.add.s32.msk $0xffff, v2;
	v11 =	vsel vm7, v18, v29  }
0xdd: {  	v18 =	vshra.s32 v17, $0x13;
	v35 =	vsel vm0, v28, v5;
	vm6 =	vge.f32 v37, $5.000000000e-01;
	[tilespmem:s8+$0xA070] =	vst v11  }
0xde: {  	v20 =	vshra.s32 v31, $0x13;
	v37 =	vsel vm6, v30, v4;
	vm1 =	vge.f32 v10, $5.000000000e-01;
	[tilespmem:s14+$0xA000] =	vst v22  }
0xdf: {  	v22 =	vshra.s32 v27, $0x13;
	v32 =	vsel vm1, v32, v3;
	vm4 =	vge.f32 v12, $5.000000000e-01;
	[tilespmem:v15+s19+$0x0] =	vst.idx.add.s32.msk $0xffff, v2  }
0xe0: {  	v29 =	vshra.s32 v35, $0x13;
	v30 =	vshra.s32 v37, $0x13;
	v34 =	vsel vm4, v34, v7;
	[tilespmem:s14+$0xA010] =	vst v25  }
0xe1: {  	v10 =	vshll.u32 v18, $0x3;
	v38 =	vshra.s32 v32, $0x13;
	v40 =	vshra.s32 v34, $0x13;
	[tilespmem:v14+s19+$0x0] =	vst.idx.add.s32.msk $0xffff, v2  }
0xe2: {  	v11 =	vshll.u32 v20, $0x3;
	v12 =	vshll.u32 v22, $0x3;
	v25 =	vshll.u32 v29, $0x3;
	[tilespmem:s14+$0xA020] =	vst v26  }
0xe3: {  	v28 =	vshll.u32 v38, $0x3;
	v26 =	vshll.u32 v30, $0x3;
	v41 =	vshll.u32 v40, $0x3;
	[tilespmem:v13+s19+$0x0] =	vst.idx.add.s32.msk $0xffff, v2  }
0xe4: {  	v16 =	vand.u32 $0xFFFFFC00, v10;
	v15 =	vand.u32 $0xFFFFFC00, v11;
	v14 =	vand.u32 $0xFFFFFC00, v12;
	[tilespmem:s14+$0xA030] =	vst v23  }
0xe5: {  	v11 =	vand.u32 $0xFFFFFC00, v28;
	v13 =	vand.u32 $0xFFFFFC00, v25;
	v12 =	vand.u32 $0xFFFFFC00, v26;
	[tilespmem:v24+s19+$0x0] =	vst.idx.add.s32.msk $0xffff, v2  }
.Ltmp4:
0xe6: {  	v25 =	vand.u32 $0x7F, v18;
	v10 =	vand.u32 $0xFFFFFC00, v41;
	v24 =	vand.u32 $0x7F, v20;
	[tilespmem:s14+$0xA040] =	vst v21;
	(pc) =	sbr.rel @p0 .LBB2_7-.Ltmp4, $4  }
0xe7: {  	v28 =	vand.u32 $0x7F, v22;
	v26 =	vand.u32 $0x7F, v29;
	v20 =	vand.u32 $0x7F, v30;
	[tilespmem:v33+s19+$0x0] =	vst.idx.add.s32.msk $0xffff, v2  }
0xe8: {  	v22 =	vand.u32 $0x7F, v38;
	v29 =	vand.u32 $0x7FFFFFFF, v17;
	v18 =	vand.u32 $0x7F, v40;
	[tilespmem:s14+$0xA050] =	vst v19  }
0xe9: {  	v27 =	vand.u32 $0x7FFFFFFF, v27;
	v23 =	vand.u32 $0x7FFFFFFF, v35;
	v30 =	vand.u32 $0x7FFFFFFF, v31;
	[tilespmem:v36+s19+$0x0] =	vst.idx.add.s32.msk $0xffff, v2  }
0xea: {  	s7 =	sadd.s32 $0x80, s7;
	v17 =	vand.u32 $0x7FFFFFFF, v34;
	v21 =	vand.u32 $0x7FFFFFFF, v37;
	v19 =	vand.u32 $0x7FFFFFFF, v32;
	[tilespmem:s14+$0xA060] =	vst v39;
	s14 =	smov.u32 s8  }
0xeb: {  	v16 =	vor.u32 v25, v16  }
0xec: {  	v15 =	vor.u32 v24, v15;
	v16 =	vadd.s32 v1, v16  }
0xed: {  	v14 =	vor.u32 v28, v14;
	v15 =	vadd.s32 v1, v15  }
0xee: {  	v14 =	vadd.s32 v1, v14;
	_ =	sdelay $0x2  }
0xef: {  	v13 =	vor.u32 v26, v13;
	[tilespmem:v16+s19+$0x0] =	vst.idx.add.s32.msk $0xffff, v2  }
0xf0: {  	v54 =	vxor.u32 $0x80000000, v29;
	v55 =	vxor.u32 $0x80000000, v30;
	v13 =	vadd.s32 v1, v13;
	[tilespmem:v15+s19+$0x0] =	vst.idx.add.s32.msk $0xffff, v2  }
0xf1: {  	v56 =	vor.u32 v20, v12;
	v57 =	vxor.u32 $0x80000000, v27;
	v9 =	vsel vm5, v54, v9;
	[tilespmem:v14+s19+$0x0] =	vst.idx.add.s32.msk $0xffff, v2  }
0xf2: {  	v58 =	vor.u32 v22, v11;
	v8 =	vsel vm2, v55, v8;
	[tilespmem:s14+$0xA000] =	vst v9;
	v9 =	vadd.s32 v1, v56  }
0xf3: {  	v60 =	vor.u32 v18, v10;
	v6 =	vsel vm3, v57, v6;
	[tilespmem:s14+$0xA010] =	vst v8;
	v8 =	vadd.s32 v1, v58  }
0xf4: {  	v59 =	vxor.u32 $0x80000000, v23;
	[tilespmem:s14+$0xA020] =	vst v6;
	v6 =	vadd.s32 v1, v60  }
0xf5: {  	v5 =	vsel vm0, v59, v5;
	[tilespmem:v13+s19+$0x0] =	vst.idx.add.s32.msk $0xffff, v2  }
0xf6: {  	[tilespmem:s14+$0xA030] =	vst v5  }
0xf7: {  	[tilespmem:v9+s19+$0x0] =	vst.idx.add.s32.msk $0xffff, v2  }
0xf8: {  	v61 =	vxor.u32 $0x80000000, v21;
	[tilespmem:v8+s19+$0x0] =	vst.idx.add.s32.msk $0xffff, v2  }
.Ltmp5:
0xf9: {  	v62 =	vxor.u32 $0x80000000, v19;
	v4 =	vsel vm6, v61, v4;
	[tilespmem:v6+s19+$0x0] =	vst.idx.add.s32.msk $0xffff, v2;
	(pc) =	sbr.rel @p1 .LBB2_10-.Ltmp5, $4  }
0xfa: {  	v63 =	vxor.u32 $0x80000000, v17;
	v3 =	vsel vm1, v62, v3;
	[tilespmem:s14+$0xA040] =	vst v4  }
0xfb: {  	[tilespmem:s14+$0xA050] =	vst v3;
	v3 =	vsel vm4, v63, v7  }
0xfc: {  	s0 =	sadd.s32 $0x400, s0;
	[tilespmem:s14+$0xA060] =	vst v3  }
0xfd: {  	[hbm4b:s0+s4] =	stream.linear.scatter [tilespmem:s23], [sflag:$0x6], $0x2000, $0x38;
	[tilespmem:$0x14000] =	vst v63  }
0xfe: {  	s0 =	sadd.s32 s31, s11  }
.Ltmp6:
0xff: {  	s0 =	sshrl.u32 s0, $0x3;
	(pc) =	sbr.rel .LBB2_4-.Ltmp6, $4  }
0x100: {  	s3 =	sadd.s32 s1, s0  }
0x101: {  	[tilespmem:s15], [sflag:$0x2] =	stream.linear.gather [hbm4b:s3+s4], $0x2000, $0x38;
	[tilespmem:$0x14000] =	vst v63  }
0x102: {  	s30 =	sadd.s32 $0x1, s30;
	s0 =	sadd.s32 s2, s0  }
0x103: {  	[tilespmem:s16], [sflag:$0x4] =	stream.linear.gather [hbm4b:s0+s4], $0x2000, $0x38;
	[tilespmem:$0x14000] =	vst v63  }
.LBB2_11:
0x104: {  	_ =	sfence.sel $0x180000  }
0x105: {  	[bflag:$0x0] =	sbarrier.arrive $0xFFFF  }
0x106: {  	_ =	strace $0x90000047  }
0x107: {  	s0 =	stileid.u32;
	[bflag:$0x2] =	sbarrier.arrive $0xFFFF  }
0x108: {  	p0 =	sne.s32 s0, $0x0;
	s0 =	rddreg [dreg:$0x3]  }
0x109: {  	s0 =	sadd.s32 @!p0 $0x100000, s0  }
0x10a: {  	[sflag:s0] =	ssyncadd.tile.s32 @!p0 $0x1;
	_ =	shalt  }
.Lfunc_end2:
_tile_overlayer_lowered:
.L_overlay_start_2:
0x10b: {  	(tag) =	ssettag $0x2  }
0x10c: {  	s0 =	rddreg [dreg:$0x0];
	s2 =	stileid.u32  }
0x10d: {  	s1 =	rddreg [dreg:$0x1];
	p0 =	sne.s32 s2, $0x0  }
0x10e: {  	s3 =	rddreg [dreg:$0x2];
	[bflag:$0x3] =	sbarrier.arrive $0xFFFF;
	s2 =	simm.s32 @!p0 $0x1C07  }
0x10f: {  	[timem:s3], [sflag:s2] =	dma.local @!p0 [hbm:s0], s1  }
0x110: {  	s0 =	simm.s32 @!p0 $0x7  }
0x111: {  	_ =	swait.ge @!p0 [sflag:s0], s1  }
0x112: {  	s1 =	ssub.s32 @!p0 $0x0, s1;
	[sflag:s0] =	ssyncset.done @!p0 $0x0  }
0x113: {  	[sflag:s0] =	ssyncadd.s32 @!p0 s1  }
0x114: {  	[bflag:$0x3] =	sbarrier.arrive $0xFFFF  }
0x115: {  	_ =	shalt  }

</sc_bundles>
